<compile_context>
chip_gen: v7x
topology: tpu7x:2x2x1
jax: 0.10.2.dev20260603
libtpu: 0.0.44.dev20260713+nightly
codegen_flags: <defaults>
</compile_context>

<pallas_src>
import jax
import jax.numpy as jnp
from jax.experimental import pallas as pl
from jax.experimental.pallas import tpu as pltpu
from jax.experimental.pallas import tpu_sc as plsc

_VOCAB = 1000000
_BATCH = 4096
_SEQ = 200
_EMB = 64
_B = _BATCH * _SEQ
_NW = 32
_N_PER_W = _B // _NW
_W = 128
_NWIN = _N_PER_W // _W
_G = 2
_NR = _NWIN // _G


def kernel(token_ids, table):
    idx = token_ids.reshape(_NW, _NWIN, _W).astype(jnp.int32)
    tab128 = jnp.pad(table, ((0, 0), (0, 128 - _EMB)))
    mesh = plsc.VectorSubcoreMesh(core_axis_name="core", subcore_axis_name="subcore")

    @pl.kernel(
        out_type=jax.ShapeDtypeStruct((_B, 128), table.dtype),
        mesh=mesh,
        compiler_params=pltpu.CompilerParams(use_tc_tiling_on_sc=True),
        scratch_types=[
            pltpu.VMEM((_NWIN, _W), jnp.int32),
            pltpu.VMEM((3 * _G, _W, 128), jnp.float32),
            pltpu.SemaphoreType.DMA((3 * _G,)),
            pltpu.SemaphoreType.DMA((3 * _G,)),
            pltpu.SemaphoreType.DMA,
        ],
    )
    def k(tab_hbm, i_hbm, o_hbm, idx_v, bufs, gsem, osem, isem):
        wid = jax.lax.axis_index("subcore") * 2 + jax.lax.axis_index("core")
        base = wid * _N_PER_W

        pltpu.async_copy(i_hbm.at[wid], idx_v, isem).wait()

        def start_gather(win, s):
            pltpu.make_async_copy(
                tab_hbm.at[idx_v.at[win]], bufs.at[s], gsem.at[s]
            ).start()

        def wait_gather_start_out(win, s):
            pltpu.make_async_copy(
                tab_hbm.at[idx_v.at[win]], bufs.at[s], gsem.at[s]
            ).wait()
            pltpu.make_async_copy(
                bufs.at[s], o_hbm.at[pl.ds(base + win * _W, _W)], osem.at[s]
            ).start()

        def wait_out(win, s):
            pltpu.make_async_copy(
                bufs.at[s], o_hbm.at[pl.ds(base + win * _W, _W)], osem.at[s]
            ).wait()

        for l in range(_G):
            start_gather(l, l)
        for r0 in (1, 2):
            for l in range(_G):
                start_gather(r0 * _G + l, (r0 % 3) * _G + l)
            for l in range(_G):
                wait_gather_start_out((r0 - 1) * _G + l, ((r0 - 1) % 3) * _G + l)

        @pl.loop(3, _NR)
        def _(r):
            grp = (r % 3) * _G
            pgrp = ((r - 1) % 3) * _G
            for l in range(_G):
                wait_out((r - 3) * _G + l, grp + l)
                start_gather(r * _G + l, grp + l)
            for l in range(_G):
                wait_gather_start_out((r - 1) * _G + l, pgrp + l)

        last = _NR - 1
        for l in range(_G):
            wait_gather_start_out(last * _G + l, (last % 3) * _G + l)
        for r0 in (last - 2, last - 1, last):
            for l in range(_G):
                wait_out(r0 * _G + l, (r0 % 3) * _G + l)

    out128 = k(tab128, idx)
    return out128[:, :_EMB].reshape(_BATCH, _SEQ, _EMB)

# --- scband reference (transcript-rebuilt; emitter-appended) ---
"""Pipeline reference for scband-gptembedding-59399397703705 (READ-ONLY COPY).

The authoritative reference and input builder live on the scoring server;
editing this copy changes nothing except your own understanding.
"""

import jax, jax.numpy as jnp
import numpy as np

VOCAB = 1000000
EMB_DIM = 64
BATCH = 4096
SEQ = 200

def setup_inputs(seed: int = 0) -> dict:
    key = jax.random.key(seed)
    k_idx, k_tab = jax.random.split(key)
    token_ids = jax.random.randint(k_idx, (BATCH, SEQ), 0, VOCAB, dtype=jnp.int64 if jax.config.jax_enable_x64 else jnp.int32)
    table = jax.random.normal(k_tab, (VOCAB, EMB_DIM), dtype=jnp.float32)
    return {"token_ids": token_ids, "table": table}

def reference(token_ids, table):
    # nn.Embedding forward: row gather from embedding table
    return jnp.take(table, token_ids, axis=0)

if __name__ == "__main__":
    import jax
    _d = setup_inputs()
    print(jax.jit(kernel)(*tuple(_d.values())))

</pallas_src>

<mosaic_0001>
#map = affine_map<(d0, d1) -> (0, 0)>
#map1 = affine_map<(d0, d1) -> (0, 0, 0)>
module attributes {stable_mosaic.version = 14 : i64} {
  func.func @k(%arg0: i32, %arg1: i32, %arg2: memref<1000000x128xf32, #tpu.memory_space<hbm>>, %arg3: memref<32x200x128xi32, #tpu.memory_space<hbm>>, %arg4: memref<819200x128xf32, #tpu.memory_space<hbm>>, %arg5: memref<200x128xi32, #tpu.memory_space<vmem>>, %arg6: memref<6x128x128xf32, #tpu.memory_space<vmem>>, %arg7: memref<6x!tpu.dma_semaphore, #tpu.memory_space<semaphore_mem>>, %arg8: memref<6x!tpu.dma_semaphore, #tpu.memory_space<semaphore_mem>>, %arg9: memref<!tpu.dma_semaphore, #tpu.memory_space<semaphore_mem>>) attributes {dimension_semantics = [#tpu.dimension_semantics<core_parallel>, #tpu.dimension_semantics<subcore_parallel>], iteration_bounds = array<i64: 2, 16>, scalar_prefetch = 0 : i64, scratch_operands = 5 : i64, tpu.core_type = #tpu.core_type<sc_vector_subcore>, window_params = [{transform_indices = #map}, {transform_indices = #map1}, {transform_indices = #map}]} {
    %mul3A = arith.constant 2 : i32
    %mul3A_0 = arith.muli %arg1, %mul3A : i32
    %add3A = arith.addi %mul3A_0, %arg0 : i32
    %mul3A_1 = arith.constant 25600 : i32
    %mul3A_2 = arith.muli %add3A, %mul3A_1 : i32
    %dma_start3A = arith.constant 0 : i32
    %dma_start3A_3 = arith.constant 0 : i32
    %dma_start3A_4 = tpu.memref_slice %arg3[%add3A, %dma_start3A, %dma_start3A_3] : memref<32x200x128xi32, #tpu.memory_space<hbm>> -> memref<1x200x128xi32, #tpu.memory_space<hbm>>
    %dma_start3A_5 = tpu.memref_squeeze %dma_start3A_4 : memref<1x200x128xi32, #tpu.memory_space<hbm>> -> memref<200x128xi32, #tpu.memory_space<hbm>>
    %dma_start3A_6 = arith.constant 0 : i32
    %dma_start3A_7 = arith.constant 0 : i32
    %dma_start3A_8 = tpu.memref_slice %arg3[%add3A, %dma_start3A_6, %dma_start3A_7] : memref<32x200x128xi32, #tpu.memory_space<hbm>> -> memref<1x200x128xi32, #tpu.memory_space<hbm>>
    %dma_start3A_9 = tpu.memref_squeeze %dma_start3A_8 : memref<1x200x128xi32, #tpu.memory_space<hbm>> -> memref<200x128xi32, #tpu.memory_space<hbm>>
    tpu.enqueue_dma source(%dma_start3A_9 : memref<200x128xi32, #tpu.memory_space<hbm>>) target(%arg5 : memref<200x128xi32, #tpu.memory_space<vmem>>) target_semaphore(%arg9 : memref<!tpu.dma_semaphore, #tpu.memory_space<semaphore_mem>>)
    %dma_wait3A = arith.constant 0 : i32
    %dma_wait3A_10 = arith.constant 0 : i32
    %dma_wait3A_11 = tpu.memref_slice %arg3[%add3A, %dma_wait3A, %dma_wait3A_10] : memref<32x200x128xi32, #tpu.memory_space<hbm>> -> memref<1x200x128xi32, #tpu.memory_space<hbm>>
    %dma_wait3A_12 = tpu.memref_squeeze %dma_wait3A_11 : memref<1x200x128xi32, #tpu.memory_space<hbm>> -> memref<200x128xi32, #tpu.memory_space<hbm>>
    %dma_wait3A_13 = arith.constant 0 : i32
    %dma_wait3A_14 = arith.constant 0 : i32
    %dma_wait3A_15 = tpu.memref_slice %arg3[%add3A, %dma_wait3A_13, %dma_wait3A_14] : memref<32x200x128xi32, #tpu.memory_space<hbm>> -> memref<1x200x128xi32, #tpu.memory_space<hbm>>
    %dma_wait3A_16 = tpu.memref_squeeze %dma_wait3A_15 : memref<1x200x128xi32, #tpu.memory_space<hbm>> -> memref<200x128xi32, #tpu.memory_space<hbm>>
    tpu.wait_dma2 semaphore(%arg9 : memref<!tpu.dma_semaphore, #tpu.memory_space<semaphore_mem>>) src(%dma_wait3A_16 : memref<200x128xi32, #tpu.memory_space<hbm>>) dst(%arg5 : memref<200x128xi32, #tpu.memory_space<vmem>>)
    %dma_start3A_17 = arith.constant 0 : i32
    %dma_start3A_18 = arith.constant 0 : i32
    %dma_start3A_19 = arith.constant 0 : i32
    %dma_start3A_20 = arith.constant 0 : i32
    %dma_start3A_21 = arith.constant 0 : i32
    %dma_start3A_22 = tpu.memref_slice %arg6[%dma_start3A_18, %dma_start3A_20, %dma_start3A_21] : memref<6x128x128xf32, #tpu.memory_space<vmem>> -> memref<1x128x128xf32, #tpu.memory_space<vmem>>
    %dma_start3A_23 = tpu.memref_squeeze %dma_start3A_22 : memref<1x128x128xf32, #tpu.memory_space<vmem>> -> memref<128x128xf32, #tpu.memory_space<vmem>>
    %dma_start3A_24 = arith.constant 0 : i32
    %dma_start3A_25 = tpu.memref_slice %arg5[%dma_start3A_17, %dma_start3A_24] : memref<200x128xi32, #tpu.memory_space<vmem>> -> memref<1x128xi32, #tpu.memory_space<vmem>>
    %dma_start3A_26 = tpu.memref_squeeze %dma_start3A_25 : memref<1x128xi32, #tpu.memory_space<vmem>> -> memref<128xi32, #tpu.memory_space<vmem>>
    %dma_start3A_27 = arith.constant 0 : i32
    %dma_start3A_28 = arith.constant 0 : i32
    %dma_start3A_29 = tpu.memref_slice %arg2[%dma_start3A_27, %dma_start3A_28] : memref<1000000x128xf32, #tpu.memory_space<hbm>> -> memref<1000000x128xf32, #tpu.memory_space<hbm>>
    %dma_start3A_30 = tpu.memref_slice %arg7[%dma_start3A_19] : memref<6x!tpu.dma_semaphore, #tpu.memory_space<semaphore_mem>> -> memref<1x!tpu.dma_semaphore, #tpu.memory_space<semaphore_mem>>
    %dma_start3A_31 = tpu.memref_squeeze %dma_start3A_30 : memref<1x!tpu.dma_semaphore, #tpu.memory_space<semaphore_mem>> -> memref<!tpu.dma_semaphore, #tpu.memory_space<semaphore_mem>>
    tpu.enqueue_indirect_dma source(%dma_start3A_29 : memref<1000000x128xf32, #tpu.memory_space<hbm>>) target(%dma_start3A_23 : memref<128x128xf32, #tpu.memory_space<vmem>>) offsets(%dma_start3A_26 : memref<128xi32, #tpu.memory_space<vmem>>) semaphore(%dma_start3A_31 : memref<!tpu.dma_semaphore, #tpu.memory_space<semaphore_mem>>)
    %dma_start3A_32 = arith.constant 1 : i32
    %dma_start3A_33 = arith.constant 1 : i32
    %dma_start3A_34 = arith.constant 1 : i32
    %dma_start3A_35 = arith.constant 0 : i32
    %dma_start3A_36 = arith.constant 0 : i32
    %dma_start3A_37 = tpu.memref_slice %arg6[%dma_start3A_33, %dma_start3A_35, %dma_start3A_36] : memref<6x128x128xf32, #tpu.memory_space<vmem>> -> memref<1x128x128xf32, #tpu.memory_space<vmem>>
    %dma_start3A_38 = tpu.memref_squeeze %dma_start3A_37 : memref<1x128x128xf32, #tpu.memory_space<vmem>> -> memref<128x128xf32, #tpu.memory_space<vmem>>
    %dma_start3A_39 = arith.constant 0 : i32
    %dma_start3A_40 = tpu.memref_slice %arg5[%dma_start3A_32, %dma_start3A_39] : memref<200x128xi32, #tpu.memory_space<vmem>> -> memref<1x128xi32, #tpu.memory_space<vmem>>
    %dma_start3A_41 = tpu.memref_squeeze %dma_start3A_40 : memref<1x128xi32, #tpu.memory_space<vmem>> -> memref<128xi32, #tpu.memory_space<vmem>>
    %dma_start3A_42 = arith.constant 0 : i32
    %dma_start3A_43 = arith.constant 0 : i32
    %dma_start3A_44 = tpu.memref_slice %arg2[%dma_start3A_42, %dma_start3A_43] : memref<1000000x128xf32, #tpu.memory_space<hbm>> -> memref<1000000x128xf32, #tpu.memory_space<hbm>>
    %dma_start3A_45 = tpu.memref_slice %arg7[%dma_start3A_34] : memref<6x!tpu.dma_semaphore, #tpu.memory_space<semaphore_mem>> -> memref<1x!tpu.dma_semaphore, #tpu.memory_space<semaphore_mem>>
    %dma_start3A_46 = tpu.memref_squeeze %dma_start3A_45 : memref<1x!tpu.dma_semaphore, #tpu.memory_space<semaphore_mem>> -> memref<!tpu.dma_semaphore, #tpu.memory_space<semaphore_mem>>
    tpu.enqueue_indirect_dma source(%dma_start3A_44 : memref<1000000x128xf32, #tpu.memory_space<hbm>>) target(%dma_start3A_38 : memref<128x128xf32, #tpu.memory_space<vmem>>) offsets(%dma_start3A_41 : memref<128xi32, #tpu.memory_space<vmem>>) semaphore(%dma_start3A_46 : memref<!tpu.dma_semaphore, #tpu.memory_space<semaphore_mem>>)
    %dma_start3A_47 = arith.constant 2 : i32
    %dma_start3A_48 = arith.constant 2 : i32
    %dma_start3A_49 = arith.constant 2 : i32
    %dma_start3A_50 = arith.constant 0 : i32
    %dma_start3A_51 = arith.constant 0 : i32
    %dma_start3A_52 = tpu.memref_slice %arg6[%dma_start3A_48, %dma_start3A_50, %dma_start3A_51] : memref<6x128x128xf32, #tpu.memory_space<vmem>> -> memref<1x128x128xf32, #tpu.memory_space<vmem>>
    %dma_start3A_53 = tpu.memref_squeeze %dma_start3A_52 : memref<1x128x128xf32, #tpu.memory_space<vmem>> -> memref<128x128xf32, #tpu.memory_space<vmem>>
    %dma_start3A_54 = arith.constant 0 : i32
    %dma_start3A_55 = tpu.memref_slice %arg5[%dma_start3A_47, %dma_start3A_54] : memref<200x128xi32, #tpu.memory_space<vmem>> -> memref<1x128xi32, #tpu.memory_space<vmem>>
    %dma_start3A_56 = tpu.memref_squeeze %dma_start3A_55 : memref<1x128xi32, #tpu.memory_space<vmem>> -> memref<128xi32, #tpu.memory_space<vmem>>
    %dma_start3A_57 = arith.constant 0 : i32
    %dma_start3A_58 = arith.constant 0 : i32
    %dma_start3A_59 = tpu.memref_slice %arg2[%dma_start3A_57, %dma_start3A_58] : memref<1000000x128xf32, #tpu.memory_space<hbm>> -> memref<1000000x128xf32, #tpu.memory_space<hbm>>
    %dma_start3A_60 = tpu.memref_slice %arg7[%dma_start3A_49] : memref<6x!tpu.dma_semaphore, #tpu.memory_space<semaphore_mem>> -> memref<1x!tpu.dma_semaphore, #tpu.memory_space<semaphore_mem>>
    %dma_start3A_61 = tpu.memref_squeeze %dma_start3A_60 : memref<1x!tpu.dma_semaphore, #tpu.memory_space<semaphore_mem>> -> memref<!tpu.dma_semaphore, #tpu.memory_space<semaphore_mem>>
    tpu.enqueue_indirect_dma source(%dma_start3A_59 : memref<1000000x128xf32, #tpu.memory_space<hbm>>) target(%dma_start3A_53 : memref<128x128xf32, #tpu.memory_space<vmem>>) offsets(%dma_start3A_56 : memref<128xi32, #tpu.memory_space<vmem>>) semaphore(%dma_start3A_61 : memref<!tpu.dma_semaphore, #tpu.memory_space<semaphore_mem>>)
    %dma_start3A_62 = arith.constant 3 : i32
    %dma_start3A_63 = arith.constant 3 : i32
    %dma_start3A_64 = arith.constant 3 : i32
    %dma_start3A_65 = arith.constant 0 : i32
    %dma_start3A_66 = arith.constant 0 : i32
    %dma_start3A_67 = tpu.memref_slice %arg6[%dma_start3A_63, %dma_start3A_65, %dma_start3A_66] : memref<6x128x128xf32, #tpu.memory_space<vmem>> -> memref<1x128x128xf32, #tpu.memory_space<vmem>>
    %dma_start3A_68 = tpu.memref_squeeze %dma_start3A_67 : memref<1x128x128xf32, #tpu.memory_space<vmem>> -> memref<128x128xf32, #tpu.memory_space<vmem>>
    %dma_start3A_69 = arith.constant 0 : i32
    %dma_start3A_70 = tpu.memref_slice %arg5[%dma_start3A_62, %dma_start3A_69] : memref<200x128xi32, #tpu.memory_space<vmem>> -> memref<1x128xi32, #tpu.memory_space<vmem>>
    %dma_start3A_71 = tpu.memref_squeeze %dma_start3A_70 : memref<1x128xi32, #tpu.memory_space<vmem>> -> memref<128xi32, #tpu.memory_space<vmem>>
    %dma_start3A_72 = arith.constant 0 : i32
    %dma_start3A_73 = arith.constant 0 : i32
    %dma_start3A_74 = tpu.memref_slice %arg2[%dma_start3A_72, %dma_start3A_73] : memref<1000000x128xf32, #tpu.memory_space<hbm>> -> memref<1000000x128xf32, #tpu.memory_space<hbm>>
    %dma_start3A_75 = tpu.memref_slice %arg7[%dma_start3A_64] : memref<6x!tpu.dma_semaphore, #tpu.memory_space<semaphore_mem>> -> memref<1x!tpu.dma_semaphore, #tpu.memory_space<semaphore_mem>>
    %dma_start3A_76 = tpu.memref_squeeze %dma_start3A_75 : memref<1x!tpu.dma_semaphore, #tpu.memory_space<semaphore_mem>> -> memref<!tpu.dma_semaphore, #tpu.memory_space<semaphore_mem>>
    tpu.enqueue_indirect_dma source(%dma_start3A_74 : memref<1000000x128xf32, #tpu.memory_space<hbm>>) target(%dma_start3A_68 : memref<128x128xf32, #tpu.memory_space<vmem>>) offsets(%dma_start3A_71 : memref<128xi32, #tpu.memory_space<vmem>>) semaphore(%dma_start3A_76 : memref<!tpu.dma_semaphore, #tpu.memory_space<semaphore_mem>>)
    %dma_wait3A_77 = arith.constant 0 : i32
    %dma_wait3A_78 = arith.constant 0 : i32
    %dma_wait3A_79 = arith.constant 0 : i32
    %dma_wait3A_80 = arith.constant 0 : i32
    %dma_wait3A_81 = arith.constant 0 : i32
    %dma_wait3A_82 = tpu.memref_slice %arg6[%dma_wait3A_78, %dma_wait3A_80, %dma_wait3A_81] : memref<6x128x128xf32, #tpu.memory_space<vmem>> -> memref<1x128x128xf32, #tpu.memory_space<vmem>>
    %dma_wait3A_83 = tpu.memref_squeeze %dma_wait3A_82 : memref<1x128x128xf32, #tpu.memory_space<vmem>> -> memref<128x128xf32, #tpu.memory_space<vmem>>
    %dma_wait3A_84 = arith.constant 0 : i32
    %dma_wait3A_85 = tpu.memref_slice %arg5[%dma_wait3A_77, %dma_wait3A_84] : memref<200x128xi32, #tpu.memory_space<vmem>> -> memref<1x128xi32, #tpu.memory_space<vmem>>
    %dma_wait3A_86 = tpu.memref_squeeze %dma_wait3A_85 : memref<1x128xi32, #tpu.memory_space<vmem>> -> memref<128xi32, #tpu.memory_space<vmem>>
    %dma_wait3A_87 = arith.constant 0 : i32
    %dma_wait3A_88 = arith.constant 0 : i32
    %dma_wait3A_89 = tpu.memref_slice %arg2[%dma_wait3A_87, %dma_wait3A_88] : memref<1000000x128xf32, #tpu.memory_space<hbm>> -> memref<1000000x128xf32, #tpu.memory_space<hbm>>
    %dma_wait3A_90 = tpu.memref_slice %arg7[%dma_wait3A_79] : memref<6x!tpu.dma_semaphore, #tpu.memory_space<semaphore_mem>> -> memref<1x!tpu.dma_semaphore, #tpu.memory_space<semaphore_mem>>
    %dma_wait3A_91 = tpu.memref_squeeze %dma_wait3A_90 : memref<1x!tpu.dma_semaphore, #tpu.memory_space<semaphore_mem>> -> memref<!tpu.dma_semaphore, #tpu.memory_space<semaphore_mem>>
    tpu.wait_indirect_dma semaphore(%dma_wait3A_91 : memref<!tpu.dma_semaphore, #tpu.memory_space<semaphore_mem>>) src(%dma_wait3A_89 : memref<1000000x128xf32, #tpu.memory_space<hbm>>) dst(%dma_wait3A_83 : memref<128x128xf32, #tpu.memory_space<vmem>>)
    %add3A_92 = arith.constant 0 : i32
    %add3A_93 = arith.addi %mul3A_2, %add3A_92 : i32
    %dma_start3A_94 = arith.constant 0 : i32
    %dma_start3A_95 = arith.constant 0 : i32
    %dma_start3A_96 = arith.constant 0 : i32
    %dma_start3A_97 = arith.constant 0 : i32
    %dma_start3A_98 = tpu.memref_slice %arg6[%dma_start3A_94, %dma_start3A_96, %dma_start3A_97] : memref<6x128x128xf32, #tpu.memory_space<vmem>> -> memref<1x128x128xf32, #tpu.memory_space<vmem>>
    %dma_start3A_99 = tpu.memref_squeeze %dma_start3A_98 : memref<1x128x128xf32, #tpu.memory_space<vmem>> -> memref<128x128xf32, #tpu.memory_space<vmem>>
    %dma_start3A_100 = arith.constant 0 : i32
    %dma_start3A_101 = tpu.memref_slice %arg4[%add3A_93, %dma_start3A_100] : memref<819200x128xf32, #tpu.memory_space<hbm>> -> memref<128x128xf32, #tpu.memory_space<hbm>>
    %dma_start3A_102 = tpu.memref_slice %arg8[%dma_start3A_95] : memref<6x!tpu.dma_semaphore, #tpu.memory_space<semaphore_mem>> -> memref<1x!tpu.dma_semaphore, #tpu.memory_space<semaphore_mem>>
    %dma_start3A_103 = tpu.memref_squeeze %dma_start3A_102 : memref<1x!tpu.dma_semaphore, #tpu.memory_space<semaphore_mem>> -> memref<!tpu.dma_semaphore, #tpu.memory_space<semaphore_mem>>
    %dma_start3A_104 = arith.constant 0 : i32
    %dma_start3A_105 = tpu.memref_slice %arg4[%add3A_93, %dma_start3A_104] : memref<819200x128xf32, #tpu.memory_space<hbm>> -> memref<128x128xf32, #tpu.memory_space<hbm>>
    %dma_start3A_106 = arith.constant 0 : i32
    %dma_start3A_107 = arith.constant 0 : i32
    %dma_start3A_108 = tpu.memref_slice %arg6[%dma_start3A_94, %dma_start3A_106, %dma_start3A_107] : memref<6x128x128xf32, #tpu.memory_space<vmem>> -> memref<1x128x128xf32, #tpu.memory_space<vmem>>
    %dma_start3A_109 = tpu.memref_squeeze %dma_start3A_108 : memref<1x128x128xf32, #tpu.memory_space<vmem>> -> memref<128x128xf32, #tpu.memory_space<vmem>>
    tpu.enqueue_dma source(%dma_start3A_109 : memref<128x128xf32, #tpu.memory_space<vmem>>) target(%dma_start3A_105 : memref<128x128xf32, #tpu.memory_space<hbm>>) target_semaphore(%dma_start3A_103 : memref<!tpu.dma_semaphore, #tpu.memory_space<semaphore_mem>>)
    %dma_wait3A_110 = arith.constant 1 : i32
    %dma_wait3A_111 = arith.constant 1 : i32
    %dma_wait3A_112 = arith.constant 1 : i32
    %dma_wait3A_113 = arith.constant 0 : i32
    %dma_wait3A_114 = arith.constant 0 : i32
    %dma_wait3A_115 = tpu.memref_slice %arg6[%dma_wait3A_111, %dma_wait3A_113, %dma_wait3A_114] : memref<6x128x128xf32, #tpu.memory_space<vmem>> -> memref<1x128x128xf32, #tpu.memory_space<vmem>>
    %dma_wait3A_116 = tpu.memref_squeeze %dma_wait3A_115 : memref<1x128x128xf32, #tpu.memory_space<vmem>> -> memref<128x128xf32, #tpu.memory_space<vmem>>
    %dma_wait3A_117 = arith.constant 0 : i32
    %dma_wait3A_118 = tpu.memref_slice %arg5[%dma_wait3A_110, %dma_wait3A_117] : memref<200x128xi32, #tpu.memory_space<vmem>> -> memref<1x128xi32, #tpu.memory_space<vmem>>
    %dma_wait3A_119 = tpu.memref_squeeze %dma_wait3A_118 : memref<1x128xi32, #tpu.memory_space<vmem>> -> memref<128xi32, #tpu.memory_space<vmem>>
    %dma_wait3A_120 = arith.constant 0 : i32
    %dma_wait3A_121 = arith.constant 0 : i32
    %dma_wait3A_122 = tpu.memref_slice %arg2[%dma_wait3A_120, %dma_wait3A_121] : memref<1000000x128xf32, #tpu.memory_space<hbm>> -> memref<1000000x128xf32, #tpu.memory_space<hbm>>
    %dma_wait3A_123 = tpu.memref_slice %arg7[%dma_wait3A_112] : memref<6x!tpu.dma_semaphore, #tpu.memory_space<semaphore_mem>> -> memref<1x!tpu.dma_semaphore, #tpu.memory_space<semaphore_mem>>
    %dma_wait3A_124 = tpu.memref_squeeze %dma_wait3A_123 : memref<1x!tpu.dma_semaphore, #tpu.memory_space<semaphore_mem>> -> memref<!tpu.dma_semaphore, #tpu.memory_space<semaphore_mem>>
    tpu.wait_indirect_dma semaphore(%dma_wait3A_124 : memref<!tpu.dma_semaphore, #tpu.memory_space<semaphore_mem>>) src(%dma_wait3A_122 : memref<1000000x128xf32, #tpu.memory_space<hbm>>) dst(%dma_wait3A_116 : memref<128x128xf32, #tpu.memory_space<vmem>>)
    %add3A_125 = arith.constant 128 : i32
    %add3A_126 = arith.addi %mul3A_2, %add3A_125 : i32
    %dma_start3A_127 = arith.constant 1 : i32
    %dma_start3A_128 = arith.constant 1 : i32
    %dma_start3A_129 = arith.constant 0 : i32
    %dma_start3A_130 = arith.constant 0 : i32
    %dma_start3A_131 = tpu.memref_slice %arg6[%dma_start3A_127, %dma_start3A_129, %dma_start3A_130] : memref<6x128x128xf32, #tpu.memory_space<vmem>> -> memref<1x128x128xf32, #tpu.memory_space<vmem>>
    %dma_start3A_132 = tpu.memref_squeeze %dma_start3A_131 : memref<1x128x128xf32, #tpu.memory_space<vmem>> -> memref<128x128xf32, #tpu.memory_space<vmem>>
    %dma_start3A_133 = arith.constant 0 : i32
    %dma_start3A_134 = tpu.memref_slice %arg4[%add3A_126, %dma_start3A_133] : memref<819200x128xf32, #tpu.memory_space<hbm>> -> memref<128x128xf32, #tpu.memory_space<hbm>>
    %dma_start3A_135 = tpu.memref_slice %arg8[%dma_start3A_128] : memref<6x!tpu.dma_semaphore, #tpu.memory_space<semaphore_mem>> -> memref<1x!tpu.dma_semaphore, #tpu.memory_space<semaphore_mem>>
    %dma_start3A_136 = tpu.memref_squeeze %dma_start3A_135 : memref<1x!tpu.dma_semaphore, #tpu.memory_space<semaphore_mem>> -> memref<!tpu.dma_semaphore, #tpu.memory_space<semaphore_mem>>
    %dma_start3A_137 = arith.constant 0 : i32
    %dma_start3A_138 = tpu.memref_slice %arg4[%add3A_126, %dma_start3A_137] : memref<819200x128xf32, #tpu.memory_space<hbm>> -> memref<128x128xf32, #tpu.memory_space<hbm>>
    %dma_start3A_139 = arith.constant 0 : i32
    %dma_start3A_140 = arith.constant 0 : i32
    %dma_start3A_141 = tpu.memref_slice %arg6[%dma_start3A_127, %dma_start3A_139, %dma_start3A_140] : memref<6x128x128xf32, #tpu.memory_space<vmem>> -> memref<1x128x128xf32, #tpu.memory_space<vmem>>
    %dma_start3A_142 = tpu.memref_squeeze %dma_start3A_141 : memref<1x128x128xf32, #tpu.memory_space<vmem>> -> memref<128x128xf32, #tpu.memory_space<vmem>>
    tpu.enqueue_dma source(%dma_start3A_142 : memref<128x128xf32, #tpu.memory_space<vmem>>) target(%dma_start3A_138 : memref<128x128xf32, #tpu.memory_space<hbm>>) target_semaphore(%dma_start3A_136 : memref<!tpu.dma_semaphore, #tpu.memory_space<semaphore_mem>>)
    %dma_start3A_143 = arith.constant 4 : i32
    %dma_start3A_144 = arith.constant 4 : i32
    %dma_start3A_145 = arith.constant 4 : i32
    %dma_start3A_146 = arith.constant 0 : i32
    %dma_start3A_147 = arith.constant 0 : i32
    %dma_start3A_148 = tpu.memref_slice %arg6[%dma_start3A_144, %dma_start3A_146, %dma_start3A_147] : memref<6x128x128xf32, #tpu.memory_space<vmem>> -> memref<1x128x128xf32, #tpu.memory_space<vmem>>
    %dma_start3A_149 = tpu.memref_squeeze %dma_start3A_148 : memref<1x128x128xf32, #tpu.memory_space<vmem>> -> memref<128x128xf32, #tpu.memory_space<vmem>>
    %dma_start3A_150 = arith.constant 0 : i32
    %dma_start3A_151 = tpu.memref_slice %arg5[%dma_start3A_143, %dma_start3A_150] : memref<200x128xi32, #tpu.memory_space<vmem>> -> memref<1x128xi32, #tpu.memory_space<vmem>>
    %dma_start3A_152 = tpu.memref_squeeze %dma_start3A_151 : memref<1x128xi32, #tpu.memory_space<vmem>> -> memref<128xi32, #tpu.memory_space<vmem>>
    %dma_start3A_153 = arith.constant 0 : i32
    %dma_start3A_154 = arith.constant 0 : i32
    %dma_start3A_155 = tpu.memref_slice %arg2[%dma_start3A_153, %dma_start3A_154] : memref<1000000x128xf32, #tpu.memory_space<hbm>> -> memref<1000000x128xf32, #tpu.memory_space<hbm>>
    %dma_start3A_156 = tpu.memref_slice %arg7[%dma_start3A_145] : memref<6x!tpu.dma_semaphore, #tpu.memory_space<semaphore_mem>> -> memref<1x!tpu.dma_semaphore, #tpu.memory_space<semaphore_mem>>
    %dma_start3A_157 = tpu.memref_squeeze %dma_start3A_156 : memref<1x!tpu.dma_semaphore, #tpu.memory_space<semaphore_mem>> -> memref<!tpu.dma_semaphore, #tpu.memory_space<semaphore_mem>>
    tpu.enqueue_indirect_dma source(%dma_start3A_155 : memref<1000000x128xf32, #tpu.memory_space<hbm>>) target(%dma_start3A_149 : memref<128x128xf32, #tpu.memory_space<vmem>>) offsets(%dma_start3A_152 : memref<128xi32, #tpu.memory_space<vmem>>) semaphore(%dma_start3A_157 : memref<!tpu.dma_semaphore, #tpu.memory_space<semaphore_mem>>)
    %dma_start3A_158 = arith.constant 5 : i32
    %dma_start3A_159 = arith.constant 5 : i32
    %dma_start3A_160 = arith.constant 5 : i32
    %dma_start3A_161 = arith.constant 0 : i32
    %dma_start3A_162 = arith.constant 0 : i32
    %dma_start3A_163 = tpu.memref_slice %arg6[%dma_start3A_159, %dma_start3A_161, %dma_start3A_162] : memref<6x128x128xf32, #tpu.memory_space<vmem>> -> memref<1x128x128xf32, #tpu.memory_space<vmem>>
    %dma_start3A_164 = tpu.memref_squeeze %dma_start3A_163 : memref<1x128x128xf32, #tpu.memory_space<vmem>> -> memref<128x128xf32, #tpu.memory_space<vmem>>
    %dma_start3A_165 = arith.constant 0 : i32
    %dma_start3A_166 = tpu.memref_slice %arg5[%dma_start3A_158, %dma_start3A_165] : memref<200x128xi32, #tpu.memory_space<vmem>> -> memref<1x128xi32, #tpu.memory_space<vmem>>
    %dma_start3A_167 = tpu.memref_squeeze %dma_start3A_166 : memref<1x128xi32, #tpu.memory_space<vmem>> -> memref<128xi32, #tpu.memory_space<vmem>>
    %dma_start3A_168 = arith.constant 0 : i32
    %dma_start3A_169 = arith.constant 0 : i32
    %dma_start3A_170 = tpu.memref_slice %arg2[%dma_start3A_168, %dma_start3A_169] : memref<1000000x128xf32, #tpu.memory_space<hbm>> -> memref<1000000x128xf32, #tpu.memory_space<hbm>>
    %dma_start3A_171 = tpu.memref_slice %arg7[%dma_start3A_160] : memref<6x!tpu.dma_semaphore, #tpu.memory_space<semaphore_mem>> -> memref<1x!tpu.dma_semaphore, #tpu.memory_space<semaphore_mem>>
    %dma_start3A_172 = tpu.memref_squeeze %dma_start3A_171 : memref<1x!tpu.dma_semaphore, #tpu.memory_space<semaphore_mem>> -> memref<!tpu.dma_semaphore, #tpu.memory_space<semaphore_mem>>
    tpu.enqueue_indirect_dma source(%dma_start3A_170 : memref<1000000x128xf32, #tpu.memory_space<hbm>>) target(%dma_start3A_164 : memref<128x128xf32, #tpu.memory_space<vmem>>) offsets(%dma_start3A_167 : memref<128xi32, #tpu.memory_space<vmem>>) semaphore(%dma_start3A_172 : memref<!tpu.dma_semaphore, #tpu.memory_space<semaphore_mem>>)
    %dma_wait3A_173 = arith.constant 2 : i32
    %dma_wait3A_174 = arith.constant 2 : i32
    %dma_wait3A_175 = arith.constant 2 : i32
    %dma_wait3A_176 = arith.constant 0 : i32
    %dma_wait3A_177 = arith.constant 0 : i32
    %dma_wait3A_178 = tpu.memref_slice %arg6[%dma_wait3A_174, %dma_wait3A_176, %dma_wait3A_177] : memref<6x128x128xf32, #tpu.memory_space<vmem>> -> memref<1x128x128xf32, #tpu.memory_space<vmem>>
    %dma_wait3A_179 = tpu.memref_squeeze %dma_wait3A_178 : memref<1x128x128xf32, #tpu.memory_space<vmem>> -> memref<128x128xf32, #tpu.memory_space<vmem>>
    %dma_wait3A_180 = arith.constant 0 : i32
    %dma_wait3A_181 = tpu.memref_slice %arg5[%dma_wait3A_173, %dma_wait3A_180] : memref<200x128xi32, #tpu.memory_space<vmem>> -> memref<1x128xi32, #tpu.memory_space<vmem>>
    %dma_wait3A_182 = tpu.memref_squeeze %dma_wait3A_181 : memref<1x128xi32, #tpu.memory_space<vmem>> -> memref<128xi32, #tpu.memory_space<vmem>>
    %dma_wait3A_183 = arith.constant 0 : i32
    %dma_wait3A_184 = arith.constant 0 : i32
    %dma_wait3A_185 = tpu.memref_slice %arg2[%dma_wait3A_183, %dma_wait3A_184] : memref<1000000x128xf32, #tpu.memory_space<hbm>> -> memref<1000000x128xf32, #tpu.memory_space<hbm>>
    %dma_wait3A_186 = tpu.memref_slice %arg7[%dma_wait3A_175] : memref<6x!tpu.dma_semaphore, #tpu.memory_space<semaphore_mem>> -> memref<1x!tpu.dma_semaphore, #tpu.memory_space<semaphore_mem>>
    %dma_wait3A_187 = tpu.memref_squeeze %dma_wait3A_186 : memref<1x!tpu.dma_semaphore, #tpu.memory_space<semaphore_mem>> -> memref<!tpu.dma_semaphore, #tpu.memory_space<semaphore_mem>>
    tpu.wait_indirect_dma semaphore(%dma_wait3A_187 : memref<!tpu.dma_semaphore, #tpu.memory_space<semaphore_mem>>) src(%dma_wait3A_185 : memref<1000000x128xf32, #tpu.memory_space<hbm>>) dst(%dma_wait3A_179 : memref<128x128xf32, #tpu.memory_space<vmem>>)
    %add3A_188 = arith.constant 256 : i32
    %add3A_189 = arith.addi %mul3A_2, %add3A_188 : i32
    %dma_start3A_190 = arith.constant 2 : i32
    %dma_start3A_191 = arith.constant 2 : i32
    %dma_start3A_192 = arith.constant 0 : i32
    %dma_start3A_193 = arith.constant 0 : i32
    %dma_start3A_194 = tpu.memref_slice %arg6[%dma_start3A_190, %dma_start3A_192, %dma_start3A_193] : memref<6x128x128xf32, #tpu.memory_space<vmem>> -> memref<1x128x128xf32, #tpu.memory_space<vmem>>
    %dma_start3A_195 = tpu.memref_squeeze %dma_start3A_194 : memref<1x128x128xf32, #tpu.memory_space<vmem>> -> memref<128x128xf32, #tpu.memory_space<vmem>>
    %dma_start3A_196 = arith.constant 0 : i32
    %dma_start3A_197 = tpu.memref_slice %arg4[%add3A_189, %dma_start3A_196] : memref<819200x128xf32, #tpu.memory_space<hbm>> -> memref<128x128xf32, #tpu.memory_space<hbm>>
    %dma_start3A_198 = tpu.memref_slice %arg8[%dma_start3A_191] : memref<6x!tpu.dma_semaphore, #tpu.memory_space<semaphore_mem>> -> memref<1x!tpu.dma_semaphore, #tpu.memory_space<semaphore_mem>>
    %dma_start3A_199 = tpu.memref_squeeze %dma_start3A_198 : memref<1x!tpu.dma_semaphore, #tpu.memory_space<semaphore_mem>> -> memref<!tpu.dma_semaphore, #tpu.memory_space<semaphore_mem>>
    %dma_start3A_200 = arith.constant 0 : i32
    %dma_start3A_201 = tpu.memref_slice %arg4[%add3A_189, %dma_start3A_200] : memref<819200x128xf32, #tpu.memory_space<hbm>> -> memref<128x128xf32, #tpu.memory_space<hbm>>
    %dma_start3A_202 = arith.constant 0 : i32
    %dma_start3A_203 = arith.constant 0 : i32
    %dma_start3A_204 = tpu.memref_slice %arg6[%dma_start3A_190, %dma_start3A_202, %dma_start3A_203] : memref<6x128x128xf32, #tpu.memory_space<vmem>> -> memref<1x128x128xf32, #tpu.memory_space<vmem>>
    %dma_start3A_205 = tpu.memref_squeeze %dma_start3A_204 : memref<1x128x128xf32, #tpu.memory_space<vmem>> -> memref<128x128xf32, #tpu.memory_space<vmem>>
    tpu.enqueue_dma source(%dma_start3A_205 : memref<128x128xf32, #tpu.memory_space<vmem>>) target(%dma_start3A_201 : memref<128x128xf32, #tpu.memory_space<hbm>>) target_semaphore(%dma_start3A_199 : memref<!tpu.dma_semaphore, #tpu.memory_space<semaphore_mem>>)
    %dma_wait3A_206 = arith.constant 3 : i32
    %dma_wait3A_207 = arith.constant 3 : i32
    %dma_wait3A_208 = arith.constant 3 : i32
    %dma_wait3A_209 = arith.constant 0 : i32
    %dma_wait3A_210 = arith.constant 0 : i32
    %dma_wait3A_211 = tpu.memref_slice %arg6[%dma_wait3A_207, %dma_wait3A_209, %dma_wait3A_210] : memref<6x128x128xf32, #tpu.memory_space<vmem>> -> memref<1x128x128xf32, #tpu.memory_space<vmem>>
    %dma_wait3A_212 = tpu.memref_squeeze %dma_wait3A_211 : memref<1x128x128xf32, #tpu.memory_space<vmem>> -> memref<128x128xf32, #tpu.memory_space<vmem>>
    %dma_wait3A_213 = arith.constant 0 : i32
    %dma_wait3A_214 = tpu.memref_slice %arg5[%dma_wait3A_206, %dma_wait3A_213] : memref<200x128xi32, #tpu.memory_space<vmem>> -> memref<1x128xi32, #tpu.memory_space<vmem>>
    %dma_wait3A_215 = tpu.memref_squeeze %dma_wait3A_214 : memref<1x128xi32, #tpu.memory_space<vmem>> -> memref<128xi32, #tpu.memory_space<vmem>>
    %dma_wait3A_216 = arith.constant 0 : i32
    %dma_wait3A_217 = arith.constant 0 : i32
    %dma_wait3A_218 = tpu.memref_slice %arg2[%dma_wait3A_216, %dma_wait3A_217] : memref<1000000x128xf32, #tpu.memory_space<hbm>> -> memref<1000000x128xf32, #tpu.memory_space<hbm>>
    %dma_wait3A_219 = tpu.memref_slice %arg7[%dma_wait3A_208] : memref<6x!tpu.dma_semaphore, #tpu.memory_space<semaphore_mem>> -> memref<1x!tpu.dma_semaphore, #tpu.memory_space<semaphore_mem>>
    %dma_wait3A_220 = tpu.memref_squeeze %dma_wait3A_219 : memref<1x!tpu.dma_semaphore, #tpu.memory_space<semaphore_mem>> -> memref<!tpu.dma_semaphore, #tpu.memory_space<semaphore_mem>>
    tpu.wait_indirect_dma semaphore(%dma_wait3A_220 : memref<!tpu.dma_semaphore, #tpu.memory_space<semaphore_mem>>) src(%dma_wait3A_218 : memref<1000000x128xf32, #tpu.memory_space<hbm>>) dst(%dma_wait3A_212 : memref<128x128xf32, #tpu.memory_space<vmem>>)
    %add3A_221 = arith.constant 384 : i32
    %add3A_222 = arith.addi %mul3A_2, %add3A_221 : i32
    %dma_start3A_223 = arith.constant 3 : i32
    %dma_start3A_224 = arith.constant 3 : i32
    %dma_start3A_225 = arith.constant 0 : i32
    %dma_start3A_226 = arith.constant 0 : i32
    %dma_start3A_227 = tpu.memref_slice %arg6[%dma_start3A_223, %dma_start3A_225, %dma_start3A_226] : memref<6x128x128xf32, #tpu.memory_space<vmem>> -> memref<1x128x128xf32, #tpu.memory_space<vmem>>
    %dma_start3A_228 = tpu.memref_squeeze %dma_start3A_227 : memref<1x128x128xf32, #tpu.memory_space<vmem>> -> memref<128x128xf32, #tpu.memory_space<vmem>>
    %dma_start3A_229 = arith.constant 0 : i32
    %dma_start3A_230 = tpu.memref_slice %arg4[%add3A_222, %dma_start3A_229] : memref<819200x128xf32, #tpu.memory_space<hbm>> -> memref<128x128xf32, #tpu.memory_space<hbm>>
    %dma_start3A_231 = tpu.memref_slice %arg8[%dma_start3A_224] : memref<6x!tpu.dma_semaphore, #tpu.memory_space<semaphore_mem>> -> memref<1x!tpu.dma_semaphore, #tpu.memory_space<semaphore_mem>>
    %dma_start3A_232 = tpu.memref_squeeze %dma_start3A_231 : memref<1x!tpu.dma_semaphore, #tpu.memory_space<semaphore_mem>> -> memref<!tpu.dma_semaphore, #tpu.memory_space<semaphore_mem>>
    %dma_start3A_233 = arith.constant 0 : i32
    %dma_start3A_234 = tpu.memref_slice %arg4[%add3A_222, %dma_start3A_233] : memref<819200x128xf32, #tpu.memory_space<hbm>> -> memref<128x128xf32, #tpu.memory_space<hbm>>
    %dma_start3A_235 = arith.constant 0 : i32
    %dma_start3A_236 = arith.constant 0 : i32
    %dma_start3A_237 = tpu.memref_slice %arg6[%dma_start3A_223, %dma_start3A_235, %dma_start3A_236] : memref<6x128x128xf32, #tpu.memory_space<vmem>> -> memref<1x128x128xf32, #tpu.memory_space<vmem>>
    %dma_start3A_238 = tpu.memref_squeeze %dma_start3A_237 : memref<1x128x128xf32, #tpu.memory_space<vmem>> -> memref<128x128xf32, #tpu.memory_space<vmem>>
    tpu.enqueue_dma source(%dma_start3A_238 : memref<128x128xf32, #tpu.memory_space<vmem>>) target(%dma_start3A_234 : memref<128x128xf32, #tpu.memory_space<hbm>>) target_semaphore(%dma_start3A_232 : memref<!tpu.dma_semaphore, #tpu.memory_space<semaphore_mem>>)
    %scan3A = arith.constant 0 : i32
    %scan3A_239 = arith.constant 97 : i32
    %scan3A_240 = arith.addi %scan3A, %scan3A_239 : i32
    %scan3A_241 = arith.constant 1 : i32
    scf.for %scan3A_417 = %scan3A to %scan3A_240 step %scan3A_241  : i32 {
      %mul3A_418 = arith.constant 1 : i32
      %mul3A_419 = arith.muli %scan3A_417, %mul3A_418 : i32
      %add3A_420 = arith.constant 3 : i32
      %add3A_421 = arith.addi %add3A_420, %mul3A_419 : i32
      %jit3A = arith.constant 3 : i32
      %eq3A = arith.constant 0 : i32
      %eq3A_422 = arith.cmpi eq, %jit3A, %eq3A : i32
      %jit3A_423 = arith.constant 1 : i32
      %select_n3A = arith.select %eq3A_422, %jit3A_423, %jit3A : i32
      %rem3A = arith.remsi %add3A_421, %select_n3A : i32
      %ne3A = arith.constant 0 : i32
      %ne3A_424 = arith.cmpi ne, %rem3A, %ne3A : i32
      %lt3A = arith.constant 0 : i32
      %lt3A_425 = arith.cmpi slt, %rem3A, %lt3A : i32
      %lt3A_426 = arith.constant 0 : i32
      %lt3A_427 = arith.cmpi slt, %select_n3A, %lt3A_426 : i32
      %ne3A_428 = arith.xori %lt3A_425, %lt3A_427 : i1
      %and3A = arith.andi %ne3A_428, %ne3A_424 : i1
      %add3A_429 = arith.addi %rem3A, %select_n3A : i32
      %select_n3A_430 = arith.select %and3A, %add3A_429, %rem3A : i32
      %mul3A_431 = arith.constant 2 : i32
      %mul3A_432 = arith.muli %select_n3A_430, %mul3A_431 : i32
      %sub3A = arith.constant 1 : i32
      %sub3A_433 = arith.subi %add3A_421, %sub3A : i32
      %jit3A_434 = arith.constant 3 : i32
      %eq3A_435 = arith.constant 0 : i32
      %eq3A_436 = arith.cmpi eq, %jit3A_434, %eq3A_435 : i32
      %jit3A_437 = arith.constant 1 : i32
      %select_n3A_438 = arith.select %eq3A_436, %jit3A_437, %jit3A_434 : i32
      %rem3A_439 = arith.remsi %sub3A_433, %select_n3A_438 : i32
      %ne3A_440 = arith.constant 0 : i32
      %ne3A_441 = arith.cmpi ne, %rem3A_439, %ne3A_440 : i32
      %lt3A_442 = arith.constant 0 : i32
      %lt3A_443 = arith.cmpi slt, %rem3A_439, %lt3A_442 : i32
      %lt3A_444 = arith.constant 0 : i32
      %lt3A_445 = arith.cmpi slt, %select_n3A_438, %lt3A_444 : i32
      %ne3A_446 = arith.xori %lt3A_443, %lt3A_445 : i1
      %and3A_447 = arith.andi %ne3A_446, %ne3A_441 : i1
      %add3A_448 = arith.addi %rem3A_439, %select_n3A_438 : i32
      %select_n3A_449 = arith.select %and3A_447, %add3A_448, %rem3A_439 : i32
      %mul3A_450 = arith.constant 2 : i32
      %mul3A_451 = arith.muli %select_n3A_449, %mul3A_450 : i32
      %sub3A_452 = arith.constant 3 : i32
      %sub3A_453 = arith.subi %add3A_421, %sub3A_452 : i32
      %mul3A_454 = arith.constant 2 : i32
      %mul3A_455 = arith.muli %sub3A_453, %mul3A_454 : i32
      %add3A_456 = arith.constant 0 : i32
      %add3A_457 = arith.addi %mul3A_455, %add3A_456 : i32
      %add3A_458 = arith.constant 0 : i32
      %add3A_459 = arith.addi %mul3A_432, %add3A_458 : i32
      %mul3A_460 = arith.constant 128 : i32
      %mul3A_461 = arith.muli %add3A_457, %mul3A_460 : i32
      %add3A_462 = arith.addi %mul3A_2, %mul3A_461 : i32
      %dma_wait3A_463 = arith.constant 0 : i32
      %dma_wait3A_464 = arith.constant 0 : i32
      %dma_wait3A_465 = tpu.memref_slice %arg6[%add3A_459, %dma_wait3A_463, %dma_wait3A_464] : memref<6x128x128xf32, #tpu.memory_space<vmem>> -> memref<1x128x128xf32, #tpu.memory_space<vmem>>
      %dma_wait3A_466 = tpu.memref_squeeze %dma_wait3A_465 : memref<1x128x128xf32, #tpu.memory_space<vmem>> -> memref<128x128xf32, #tpu.memory_space<vmem>>
      %dma_wait3A_467 = arith.constant 0 : i32
      %dma_wait3A_468 = tpu.memref_slice %arg4[%add3A_462, %dma_wait3A_467] : memref<819200x128xf32, #tpu.memory_space<hbm>> -> memref<128x128xf32, #tpu.memory_space<hbm>>
      %dma_wait3A_469 = tpu.memref_slice %arg8[%add3A_459] : memref<6x!tpu.dma_semaphore, #tpu.memory_space<semaphore_mem>> -> memref<1x!tpu.dma_semaphore, #tpu.memory_space<semaphore_mem>>
      %dma_wait3A_470 = tpu.memref_squeeze %dma_wait3A_469 : memref<1x!tpu.dma_semaphore, #tpu.memory_space<semaphore_mem>> -> memref<!tpu.dma_semaphore, #tpu.memory_space<semaphore_mem>>
      %dma_wait3A_471 = arith.constant 0 : i32
      %dma_wait3A_472 = tpu.memref_slice %arg4[%add3A_462, %dma_wait3A_471] : memref<819200x128xf32, #tpu.memory_space<hbm>> -> memref<128x128xf32, #tpu.memory_space<hbm>>
      %dma_wait3A_473 = arith.constant 0 : i32
      %dma_wait3A_474 = arith.constant 0 : i32
      %dma_wait3A_475 = tpu.memref_slice %arg6[%add3A_459, %dma_wait3A_473, %dma_wait3A_474] : memref<6x128x128xf32, #tpu.memory_space<vmem>> -> memref<1x128x128xf32, #tpu.memory_space<vmem>>
      %dma_wait3A_476 = tpu.memref_squeeze %dma_wait3A_475 : memref<1x128x128xf32, #tpu.memory_space<vmem>> -> memref<128x128xf32, #tpu.memory_space<vmem>>
      tpu.wait_dma2 semaphore(%dma_wait3A_470 : memref<!tpu.dma_semaphore, #tpu.memory_space<semaphore_mem>>) src(%dma_wait3A_476 : memref<128x128xf32, #tpu.memory_space<vmem>>) dst(%dma_wait3A_472 : memref<128x128xf32, #tpu.memory_space<hbm>>)
      %mul3A_477 = arith.constant 2 : i32
      %mul3A_478 = arith.muli %add3A_421, %mul3A_477 : i32
      %add3A_479 = arith.constant 0 : i32
      %add3A_480 = arith.addi %mul3A_478, %add3A_479 : i32
      %add3A_481 = arith.constant 0 : i32
      %add3A_482 = arith.addi %mul3A_432, %add3A_481 : i32
      %dma_start3A_483 = arith.constant 0 : i32
      %dma_start3A_484 = arith.constant 0 : i32
      %dma_start3A_485 = tpu.memref_slice %arg6[%add3A_482, %dma_start3A_483, %dma_start3A_484] : memref<6x128x128xf32, #tpu.memory_space<vmem>> -> memref<1x128x128xf32, #tpu.memory_space<vmem>>
      %dma_start3A_486 = tpu.memref_squeeze %dma_start3A_485 : memref<1x128x128xf32, #tpu.memory_space<vmem>> -> memref<128x128xf32, #tpu.memory_space<vmem>>
      %dma_start3A_487 = arith.constant 0 : i32
      %dma_start3A_488 = tpu.memref_slice %arg5[%add3A_480, %dma_start3A_487] : memref<200x128xi32, #tpu.memory_space<vmem>> -> memref<1x128xi32, #tpu.memory_space<vmem>>
      %dma_start3A_489 = tpu.memref_squeeze %dma_start3A_488 : memref<1x128xi32, #tpu.memory_space<vmem>> -> memref<128xi32, #tpu.memory_space<vmem>>
      %dma_start3A_490 = arith.constant 0 : i32
      %dma_start3A_491 = arith.constant 0 : i32
      %dma_start3A_492 = tpu.memref_slice %arg2[%dma_start3A_490, %dma_start3A_491] : memref<1000000x128xf32, #tpu.memory_space<hbm>> -> memref<1000000x128xf32, #tpu.memory_space<hbm>>
      %dma_start3A_493 = tpu.memref_slice %arg7[%add3A_482] : memref<6x!tpu.dma_semaphore, #tpu.memory_space<semaphore_mem>> -> memref<1x!tpu.dma_semaphore, #tpu.memory_space<semaphore_mem>>
      %dma_start3A_494 = tpu.memref_squeeze %dma_start3A_493 : memref<1x!tpu.dma_semaphore, #tpu.memory_space<semaphore_mem>> -> memref<!tpu.dma_semaphore, #tpu.memory_space<semaphore_mem>>
      tpu.enqueue_indirect_dma source(%dma_start3A_492 : memref<1000000x128xf32, #tpu.memory_space<hbm>>) target(%dma_start3A_486 : memref<128x128xf32, #tpu.memory_space<vmem>>) offsets(%dma_start3A_489 : memref<128xi32, #tpu.memory_space<vmem>>) semaphore(%dma_start3A_494 : memref<!tpu.dma_semaphore, #tpu.memory_space<semaphore_mem>>)
      %sub3A_495 = arith.constant 3 : i32
      %sub3A_496 = arith.subi %add3A_421, %sub3A_495 : i32
      %mul3A_497 = arith.constant 2 : i32
      %mul3A_498 = arith.muli %sub3A_496, %mul3A_497 : i32
      %add3A_499 = arith.constant 1 : i32
      %add3A_500 = arith.addi %mul3A_498, %add3A_499 : i32
      %add3A_501 = arith.constant 1 : i32
      %add3A_502 = arith.addi %mul3A_432, %add3A_501 : i32
      %mul3A_503 = arith.constant 128 : i32
      %mul3A_504 = arith.muli %add3A_500, %mul3A_503 : i32
      %add3A_505 = arith.addi %mul3A_2, %mul3A_504 : i32
      %dma_wait3A_506 = arith.constant 0 : i32
      %dma_wait3A_507 = arith.constant 0 : i32
      %dma_wait3A_508 = tpu.memref_slice %arg6[%add3A_502, %dma_wait3A_506, %dma_wait3A_507] : memref<6x128x128xf32, #tpu.memory_space<vmem>> -> memref<1x128x128xf32, #tpu.memory_space<vmem>>
      %dma_wait3A_509 = tpu.memref_squeeze %dma_wait3A_508 : memref<1x128x128xf32, #tpu.memory_space<vmem>> -> memref<128x128xf32, #tpu.memory_space<vmem>>
      %dma_wait3A_510 = arith.constant 0 : i32
      %dma_wait3A_511 = tpu.memref_slice %arg4[%add3A_505, %dma_wait3A_510] : memref<819200x128xf32, #tpu.memory_space<hbm>> -> memref<128x128xf32, #tpu.memory_space<hbm>>
      %dma_wait3A_512 = tpu.memref_slice %arg8[%add3A_502] : memref<6x!tpu.dma_semaphore, #tpu.memory_space<semaphore_mem>> -> memref<1x!tpu.dma_semaphore, #tpu.memory_space<semaphore_mem>>
      %dma_wait3A_513 = tpu.memref_squeeze %dma_wait3A_512 : memref<1x!tpu.dma_semaphore, #tpu.memory_space<semaphore_mem>> -> memref<!tpu.dma_semaphore, #tpu.memory_space<semaphore_mem>>
      %dma_wait3A_514 = arith.constant 0 : i32
      %dma_wait3A_515 = tpu.memref_slice %arg4[%add3A_505, %dma_wait3A_514] : memref<819200x128xf32, #tpu.memory_space<hbm>> -> memref<128x128xf32, #tpu.memory_space<hbm>>
      %dma_wait3A_516 = arith.constant 0 : i32
      %dma_wait3A_517 = arith.constant 0 : i32
      %dma_wait3A_518 = tpu.memref_slice %arg6[%add3A_502, %dma_wait3A_516, %dma_wait3A_517] : memref<6x128x128xf32, #tpu.memory_space<vmem>> -> memref<1x128x128xf32, #tpu.memory_space<vmem>>
      %dma_wait3A_519 = tpu.memref_squeeze %dma_wait3A_518 : memref<1x128x128xf32, #tpu.memory_space<vmem>> -> memref<128x128xf32, #tpu.memory_space<vmem>>
      tpu.wait_dma2 semaphore(%dma_wait3A_513 : memref<!tpu.dma_semaphore, #tpu.memory_space<semaphore_mem>>) src(%dma_wait3A_519 : memref<128x128xf32, #tpu.memory_space<vmem>>) dst(%dma_wait3A_515 : memref<128x128xf32, #tpu.memory_space<hbm>>)
      %mul3A_520 = arith.constant 2 : i32
      %mul3A_521 = arith.muli %add3A_421, %mul3A_520 : i32
      %add3A_522 = arith.constant 1 : i32
      %add3A_523 = arith.addi %mul3A_521, %add3A_522 : i32
      %add3A_524 = arith.constant 1 : i32
      %add3A_525 = arith.addi %mul3A_432, %add3A_524 : i32
      %dma_start3A_526 = arith.constant 0 : i32
      %dma_start3A_527 = arith.constant 0 : i32
      %dma_start3A_528 = tpu.memref_slice %arg6[%add3A_525, %dma_start3A_526, %dma_start3A_527] : memref<6x128x128xf32, #tpu.memory_space<vmem>> -> memref<1x128x128xf32, #tpu.memory_space<vmem>>
      %dma_start3A_529 = tpu.memref_squeeze %dma_start3A_528 : memref<1x128x128xf32, #tpu.memory_space<vmem>> -> memref<128x128xf32, #tpu.memory_space<vmem>>
      %dma_start3A_530 = arith.constant 0 : i32
      %dma_start3A_531 = tpu.memref_slice %arg5[%add3A_523, %dma_start3A_530] : memref<200x128xi32, #tpu.memory_space<vmem>> -> memref<1x128xi32, #tpu.memory_space<vmem>>
      %dma_start3A_532 = tpu.memref_squeeze %dma_start3A_531 : memref<1x128xi32, #tpu.memory_space<vmem>> -> memref<128xi32, #tpu.memory_space<vmem>>
      %dma_start3A_533 = arith.constant 0 : i32
      %dma_start3A_534 = arith.constant 0 : i32
      %dma_start3A_535 = tpu.memref_slice %arg2[%dma_start3A_533, %dma_start3A_534] : memref<1000000x128xf32, #tpu.memory_space<hbm>> -> memref<1000000x128xf32, #tpu.memory_space<hbm>>
      %dma_start3A_536 = tpu.memref_slice %arg7[%add3A_525] : memref<6x!tpu.dma_semaphore, #tpu.memory_space<semaphore_mem>> -> memref<1x!tpu.dma_semaphore, #tpu.memory_space<semaphore_mem>>
      %dma_start3A_537 = tpu.memref_squeeze %dma_start3A_536 : memref<1x!tpu.dma_semaphore, #tpu.memory_space<semaphore_mem>> -> memref<!tpu.dma_semaphore, #tpu.memory_space<semaphore_mem>>
      tpu.enqueue_indirect_dma source(%dma_start3A_535 : memref<1000000x128xf32, #tpu.memory_space<hbm>>) target(%dma_start3A_529 : memref<128x128xf32, #tpu.memory_space<vmem>>) offsets(%dma_start3A_532 : memref<128xi32, #tpu.memory_space<vmem>>) semaphore(%dma_start3A_537 : memref<!tpu.dma_semaphore, #tpu.memory_space<semaphore_mem>>)
      %sub3A_538 = arith.constant 1 : i32
      %sub3A_539 = arith.subi %add3A_421, %sub3A_538 : i32
      %mul3A_540 = arith.constant 2 : i32
      %mul3A_541 = arith.muli %sub3A_539, %mul3A_540 : i32
      %add3A_542 = arith.constant 0 : i32
      %add3A_543 = arith.addi %mul3A_541, %add3A_542 : i32
      %add3A_544 = arith.constant 0 : i32
      %add3A_545 = arith.addi %mul3A_451, %add3A_544 : i32
      %dma_wait3A_546 = arith.constant 0 : i32
      %dma_wait3A_547 = arith.constant 0 : i32
      %dma_wait3A_548 = tpu.memref_slice %arg6[%add3A_545, %dma_wait3A_546, %dma_wait3A_547] : memref<6x128x128xf32, #tpu.memory_space<vmem>> -> memref<1x128x128xf32, #tpu.memory_space<vmem>>
      %dma_wait3A_549 = tpu.memref_squeeze %dma_wait3A_548 : memref<1x128x128xf32, #tpu.memory_space<vmem>> -> memref<128x128xf32, #tpu.memory_space<vmem>>
      %dma_wait3A_550 = arith.constant 0 : i32
      %dma_wait3A_551 = tpu.memref_slice %arg5[%add3A_543, %dma_wait3A_550] : memref<200x128xi32, #tpu.memory_space<vmem>> -> memref<1x128xi32, #tpu.memory_space<vmem>>
      %dma_wait3A_552 = tpu.memref_squeeze %dma_wait3A_551 : memref<1x128xi32, #tpu.memory_space<vmem>> -> memref<128xi32, #tpu.memory_space<vmem>>
      %dma_wait3A_553 = arith.constant 0 : i32
      %dma_wait3A_554 = arith.constant 0 : i32
      %dma_wait3A_555 = tpu.memref_slice %arg2[%dma_wait3A_553, %dma_wait3A_554] : memref<1000000x128xf32, #tpu.memory_space<hbm>> -> memref<1000000x128xf32, #tpu.memory_space<hbm>>
      %dma_wait3A_556 = tpu.memref_slice %arg7[%add3A_545] : memref<6x!tpu.dma_semaphore, #tpu.memory_space<semaphore_mem>> -> memref<1x!tpu.dma_semaphore, #tpu.memory_space<semaphore_mem>>
      %dma_wait3A_557 = tpu.memref_squeeze %dma_wait3A_556 : memref<1x!tpu.dma_semaphore, #tpu.memory_space<semaphore_mem>> -> memref<!tpu.dma_semaphore, #tpu.memory_space<semaphore_mem>>
      tpu.wait_indirect_dma semaphore(%dma_wait3A_557 : memref<!tpu.dma_semaphore, #tpu.memory_space<semaphore_mem>>) src(%dma_wait3A_555 : memref<1000000x128xf32, #tpu.memory_space<hbm>>) dst(%dma_wait3A_549 : memref<128x128xf32, #tpu.memory_space<vmem>>)
      %mul3A_558 = arith.constant 128 : i32
      %mul3A_559 = arith.muli %add3A_543, %mul3A_558 : i32
      %add3A_560 = arith.addi %mul3A_2, %mul3A_559 : i32
      %dma_start3A_561 = arith.constant 0 : i32
      %dma_start3A_562 = arith.constant 0 : i32
      %dma_start3A_563 = tpu.memref_slice %arg6[%add3A_545, %dma_start3A_561, %dma_start3A_562] : memref<6x128x128xf32, #tpu.memory_space<vmem>> -> memref<1x128x128xf32, #tpu.memory_space<vmem>>
      %dma_start3A_564 = tpu.memref_squeeze %dma_start3A_563 : memref<1x128x128xf32, #tpu.memory_space<vmem>> -> memref<128x128xf32, #tpu.memory_space<vmem>>
      %dma_start3A_565 = arith.constant 0 : i32
      %dma_start3A_566 = tpu.memref_slice %arg4[%add3A_560, %dma_start3A_565] : memref<819200x128xf32, #tpu.memory_space<hbm>> -> memref<128x128xf32, #tpu.memory_space<hbm>>
      %dma_start3A_567 = tpu.memref_slice %arg8[%add3A_545] : memref<6x!tpu.dma_semaphore, #tpu.memory_space<semaphore_mem>> -> memref<1x!tpu.dma_semaphore, #tpu.memory_space<semaphore_mem>>
      %dma_start3A_568 = tpu.memref_squeeze %dma_start3A_567 : memref<1x!tpu.dma_semaphore, #tpu.memory_space<semaphore_mem>> -> memref<!tpu.dma_semaphore, #tpu.memory_space<semaphore_mem>>
      %dma_start3A_569 = arith.constant 0 : i32
      %dma_start3A_570 = tpu.memref_slice %arg4[%add3A_560, %dma_start3A_569] : memref<819200x128xf32, #tpu.memory_space<hbm>> -> memref<128x128xf32, #tpu.memory_space<hbm>>
      %dma_start3A_571 = arith.constant 0 : i32
      %dma_start3A_572 = arith.constant 0 : i32
      %dma_start3A_573 = tpu.memref_slice %arg6[%add3A_545, %dma_start3A_571, %dma_start3A_572] : memref<6x128x128xf32, #tpu.memory_space<vmem>> -> memref<1x128x128xf32, #tpu.memory_space<vmem>>
      %dma_start3A_574 = tpu.memref_squeeze %dma_start3A_573 : memref<1x128x128xf32, #tpu.memory_space<vmem>> -> memref<128x128xf32, #tpu.memory_space<vmem>>
      tpu.enqueue_dma source(%dma_start3A_574 : memref<128x128xf32, #tpu.memory_space<vmem>>) target(%dma_start3A_570 : memref<128x128xf32, #tpu.memory_space<hbm>>) target_semaphore(%dma_start3A_568 : memref<!tpu.dma_semaphore, #tpu.memory_space<semaphore_mem>>)
      %sub3A_575 = arith.constant 1 : i32
      %sub3A_576 = arith.subi %add3A_421, %sub3A_575 : i32
      %mul3A_577 = arith.constant 2 : i32
      %mul3A_578 = arith.muli %sub3A_576, %mul3A_577 : i32
      %add3A_579 = arith.constant 1 : i32
      %add3A_580 = arith.addi %mul3A_578, %add3A_579 : i32
      %add3A_581 = arith.constant 1 : i32
      %add3A_582 = arith.addi %mul3A_451, %add3A_581 : i32
      %dma_wait3A_583 = arith.constant 0 : i32
      %dma_wait3A_584 = arith.constant 0 : i32
      %dma_wait3A_585 = tpu.memref_slice %arg6[%add3A_582, %dma_wait3A_583, %dma_wait3A_584] : memref<6x128x128xf32, #tpu.memory_space<vmem>> -> memref<1x128x128xf32, #tpu.memory_space<vmem>>
      %dma_wait3A_586 = tpu.memref_squeeze %dma_wait3A_585 : memref<1x128x128xf32, #tpu.memory_space<vmem>> -> memref<128x128xf32, #tpu.memory_space<vmem>>
      %dma_wait3A_587 = arith.constant 0 : i32
      %dma_wait3A_588 = tpu.memref_slice %arg5[%add3A_580, %dma_wait3A_587] : memref<200x128xi32, #tpu.memory_space<vmem>> -> memref<1x128xi32, #tpu.memory_space<vmem>>
      %dma_wait3A_589 = tpu.memref_squeeze %dma_wait3A_588 : memref<1x128xi32, #tpu.memory_space<vmem>> -> memref<128xi32, #tpu.memory_space<vmem>>
      %dma_wait3A_590 = arith.constant 0 : i32
      %dma_wait3A_591 = arith.constant 0 : i32
      %dma_wait3A_592 = tpu.memref_slice %arg2[%dma_wait3A_590, %dma_wait3A_591] : memref<1000000x128xf32, #tpu.memory_space<hbm>> -> memref<1000000x128xf32, #tpu.memory_space<hbm>>
      %dma_wait3A_593 = tpu.memref_slice %arg7[%add3A_582] : memref<6x!tpu.dma_semaphore, #tpu.memory_space<semaphore_mem>> -> memref<1x!tpu.dma_semaphore, #tpu.memory_space<semaphore_mem>>
      %dma_wait3A_594 = tpu.memref_squeeze %dma_wait3A_593 : memref<1x!tpu.dma_semaphore, #tpu.memory_space<semaphore_mem>> -> memref<!tpu.dma_semaphore, #tpu.memory_space<semaphore_mem>>
      tpu.wait_indirect_dma semaphore(%dma_wait3A_594 : memref<!tpu.dma_semaphore, #tpu.memory_space<semaphore_mem>>) src(%dma_wait3A_592 : memref<1000000x128xf32, #tpu.memory_space<hbm>>) dst(%dma_wait3A_586 : memref<128x128xf32, #tpu.memory_space<vmem>>)
      %mul3A_595 = arith.constant 128 : i32
      %mul3A_596 = arith.muli %add3A_580, %mul3A_595 : i32
      %add3A_597 = arith.addi %mul3A_2, %mul3A_596 : i32
      %dma_start3A_598 = arith.constant 0 : i32
      %dma_start3A_599 = arith.constant 0 : i32
      %dma_start3A_600 = tpu.memref_slice %arg6[%add3A_582, %dma_start3A_598, %dma_start3A_599] : memref<6x128x128xf32, #tpu.memory_space<vmem>> -> memref<1x128x128xf32, #tpu.memory_space<vmem>>
      %dma_start3A_601 = tpu.memref_squeeze %dma_start3A_600 : memref<1x128x128xf32, #tpu.memory_space<vmem>> -> memref<128x128xf32, #tpu.memory_space<vmem>>
      %dma_start3A_602 = arith.constant 0 : i32
      %dma_start3A_603 = tpu.memref_slice %arg4[%add3A_597, %dma_start3A_602] : memref<819200x128xf32, #tpu.memory_space<hbm>> -> memref<128x128xf32, #tpu.memory_space<hbm>>
      %dma_start3A_604 = tpu.memref_slice %arg8[%add3A_582] : memref<6x!tpu.dma_semaphore, #tpu.memory_space<semaphore_mem>> -> memref<1x!tpu.dma_semaphore, #tpu.memory_space<semaphore_mem>>
      %dma_start3A_605 = tpu.memref_squeeze %dma_start3A_604 : memref<1x!tpu.dma_semaphore, #tpu.memory_space<semaphore_mem>> -> memref<!tpu.dma_semaphore, #tpu.memory_space<semaphore_mem>>
      %dma_start3A_606 = arith.constant 0 : i32
      %dma_start3A_607 = tpu.memref_slice %arg4[%add3A_597, %dma_start3A_606] : memref<819200x128xf32, #tpu.memory_space<hbm>> -> memref<128x128xf32, #tpu.memory_space<hbm>>
      %dma_start3A_608 = arith.constant 0 : i32
      %dma_start3A_609 = arith.constant 0 : i32
      %dma_start3A_610 = tpu.memref_slice %arg6[%add3A_582, %dma_start3A_608, %dma_start3A_609] : memref<6x128x128xf32, #tpu.memory_space<vmem>> -> memref<1x128x128xf32, #tpu.memory_space<vmem>>
      %dma_start3A_611 = tpu.memref_squeeze %dma_start3A_610 : memref<1x128x128xf32, #tpu.memory_space<vmem>> -> memref<128x128xf32, #tpu.memory_space<vmem>>
      tpu.enqueue_dma source(%dma_start3A_611 : memref<128x128xf32, #tpu.memory_space<vmem>>) target(%dma_start3A_607 : memref<128x128xf32, #tpu.memory_space<hbm>>) target_semaphore(%dma_start3A_605 : memref<!tpu.dma_semaphore, #tpu.memory_space<semaphore_mem>>)
    }
    %scan3A_242 = arith.constant 97 : i32
    %dma_wait3A_243 = arith.constant 198 : i32
    %dma_wait3A_244 = arith.constant 0 : i32
    %dma_wait3A_245 = arith.constant 0 : i32
    %dma_wait3A_246 = arith.constant 0 : i32
    %dma_wait3A_247 = arith.constant 0 : i32
    %dma_wait3A_248 = tpu.memref_slice %arg6[%dma_wait3A_244, %dma_wait3A_246, %dma_wait3A_247] : memref<6x128x128xf32, #tpu.memory_space<vmem>> -> memref<1x128x128xf32, #tpu.memory_space<vmem>>
    %dma_wait3A_249 = tpu.memref_squeeze %dma_wait3A_248 : memref<1x128x128xf32, #tpu.memory_space<vmem>> -> memref<128x128xf32, #tpu.memory_space<vmem>>
    %dma_wait3A_250 = arith.constant 0 : i32
    %dma_wait3A_251 = tpu.memref_slice %arg5[%dma_wait3A_243, %dma_wait3A_250] : memref<200x128xi32, #tpu.memory_space<vmem>> -> memref<1x128xi32, #tpu.memory_space<vmem>>
    %dma_wait3A_252 = tpu.memref_squeeze %dma_wait3A_251 : memref<1x128xi32, #tpu.memory_space<vmem>> -> memref<128xi32, #tpu.memory_space<vmem>>
    %dma_wait3A_253 = arith.constant 0 : i32
    %dma_wait3A_254 = arith.constant 0 : i32
    %dma_wait3A_255 = tpu.memref_slice %arg2[%dma_wait3A_253, %dma_wait3A_254] : memref<1000000x128xf32, #tpu.memory_space<hbm>> -> memref<1000000x128xf32, #tpu.memory_space<hbm>>
    %dma_wait3A_256 = tpu.memref_slice %arg7[%dma_wait3A_245] : memref<6x!tpu.dma_semaphore, #tpu.memory_space<semaphore_mem>> -> memref<1x!tpu.dma_semaphore, #tpu.memory_space<semaphore_mem>>
    %dma_wait3A_257 = tpu.memref_squeeze %dma_wait3A_256 : memref<1x!tpu.dma_semaphore, #tpu.memory_space<semaphore_mem>> -> memref<!tpu.dma_semaphore, #tpu.memory_space<semaphore_mem>>
    tpu.wait_indirect_dma semaphore(%dma_wait3A_257 : memref<!tpu.dma_semaphore, #tpu.memory_space<semaphore_mem>>) src(%dma_wait3A_255 : memref<1000000x128xf32, #tpu.memory_space<hbm>>) dst(%dma_wait3A_249 : memref<128x128xf32, #tpu.memory_space<vmem>>)
    %add3A_258 = arith.constant 25344 : i32
    %add3A_259 = arith.addi %mul3A_2, %add3A_258 : i32
    %dma_start3A_260 = arith.constant 0 : i32
    %dma_start3A_261 = arith.constant 0 : i32
    %dma_start3A_262 = arith.constant 0 : i32
    %dma_start3A_263 = arith.constant 0 : i32
    %dma_start3A_264 = tpu.memref_slice %arg6[%dma_start3A_260, %dma_start3A_262, %dma_start3A_263] : memref<6x128x128xf32, #tpu.memory_space<vmem>> -> memref<1x128x128xf32, #tpu.memory_space<vmem>>
    %dma_start3A_265 = tpu.memref_squeeze %dma_start3A_264 : memref<1x128x128xf32, #tpu.memory_space<vmem>> -> memref<128x128xf32, #tpu.memory_space<vmem>>
    %dma_start3A_266 = arith.constant 0 : i32
    %dma_start3A_267 = tpu.memref_slice %arg4[%add3A_259, %dma_start3A_266] : memref<819200x128xf32, #tpu.memory_space<hbm>> -> memref<128x128xf32, #tpu.memory_space<hbm>>
    %dma_start3A_268 = tpu.memref_slice %arg8[%dma_start3A_261] : memref<6x!tpu.dma_semaphore, #tpu.memory_space<semaphore_mem>> -> memref<1x!tpu.dma_semaphore, #tpu.memory_space<semaphore_mem>>
    %dma_start3A_269 = tpu.memref_squeeze %dma_start3A_268 : memref<1x!tpu.dma_semaphore, #tpu.memory_space<semaphore_mem>> -> memref<!tpu.dma_semaphore, #tpu.memory_space<semaphore_mem>>
    %dma_start3A_270 = arith.constant 0 : i32
    %dma_start3A_271 = tpu.memref_slice %arg4[%add3A_259, %dma_start3A_270] : memref<819200x128xf32, #tpu.memory_space<hbm>> -> memref<128x128xf32, #tpu.memory_space<hbm>>
    %dma_start3A_272 = arith.constant 0 : i32
    %dma_start3A_273 = arith.constant 0 : i32
    %dma_start3A_274 = tpu.memref_slice %arg6[%dma_start3A_260, %dma_start3A_272, %dma_start3A_273] : memref<6x128x128xf32, #tpu.memory_space<vmem>> -> memref<1x128x128xf32, #tpu.memory_space<vmem>>
    %dma_start3A_275 = tpu.memref_squeeze %dma_start3A_274 : memref<1x128x128xf32, #tpu.memory_space<vmem>> -> memref<128x128xf32, #tpu.memory_space<vmem>>
    tpu.enqueue_dma source(%dma_start3A_275 : memref<128x128xf32, #tpu.memory_space<vmem>>) target(%dma_start3A_271 : memref<128x128xf32, #tpu.memory_space<hbm>>) target_semaphore(%dma_start3A_269 : memref<!tpu.dma_semaphore, #tpu.memory_space<semaphore_mem>>)
    %dma_wait3A_276 = arith.constant 199 : i32
    %dma_wait3A_277 = arith.constant 1 : i32
    %dma_wait3A_278 = arith.constant 1 : i32
    %dma_wait3A_279 = arith.constant 0 : i32
    %dma_wait3A_280 = arith.constant 0 : i32
    %dma_wait3A_281 = tpu.memref_slice %arg6[%dma_wait3A_277, %dma_wait3A_279, %dma_wait3A_280] : memref<6x128x128xf32, #tpu.memory_space<vmem>> -> memref<1x128x128xf32, #tpu.memory_space<vmem>>
    %dma_wait3A_282 = tpu.memref_squeeze %dma_wait3A_281 : memref<1x128x128xf32, #tpu.memory_space<vmem>> -> memref<128x128xf32, #tpu.memory_space<vmem>>
    %dma_wait3A_283 = arith.constant 0 : i32
    %dma_wait3A_284 = tpu.memref_slice %arg5[%dma_wait3A_276, %dma_wait3A_283] : memref<200x128xi32, #tpu.memory_space<vmem>> -> memref<1x128xi32, #tpu.memory_space<vmem>>
    %dma_wait3A_285 = tpu.memref_squeeze %dma_wait3A_284 : memref<1x128xi32, #tpu.memory_space<vmem>> -> memref<128xi32, #tpu.memory_space<vmem>>
    %dma_wait3A_286 = arith.constant 0 : i32
    %dma_wait3A_287 = arith.constant 0 : i32
    %dma_wait3A_288 = tpu.memref_slice %arg2[%dma_wait3A_286, %dma_wait3A_287] : memref<1000000x128xf32, #tpu.memory_space<hbm>> -> memref<1000000x128xf32, #tpu.memory_space<hbm>>
    %dma_wait3A_289 = tpu.memref_slice %arg7[%dma_wait3A_278] : memref<6x!tpu.dma_semaphore, #tpu.memory_space<semaphore_mem>> -> memref<1x!tpu.dma_semaphore, #tpu.memory_space<semaphore_mem>>
    %dma_wait3A_290 = tpu.memref_squeeze %dma_wait3A_289 : memref<1x!tpu.dma_semaphore, #tpu.memory_space<semaphore_mem>> -> memref<!tpu.dma_semaphore, #tpu.memory_space<semaphore_mem>>
    tpu.wait_indirect_dma semaphore(%dma_wait3A_290 : memref<!tpu.dma_semaphore, #tpu.memory_space<semaphore_mem>>) src(%dma_wait3A_288 : memref<1000000x128xf32, #tpu.memory_space<hbm>>) dst(%dma_wait3A_282 : memref<128x128xf32, #tpu.memory_space<vmem>>)
    %add3A_291 = arith.constant 25472 : i32
    %add3A_292 = arith.addi %mul3A_2, %add3A_291 : i32
    %dma_start3A_293 = arith.constant 1 : i32
    %dma_start3A_294 = arith.constant 1 : i32
    %dma_start3A_295 = arith.constant 0 : i32
    %dma_start3A_296 = arith.constant 0 : i32
    %dma_start3A_297 = tpu.memref_slice %arg6[%dma_start3A_293, %dma_start3A_295, %dma_start3A_296] : memref<6x128x128xf32, #tpu.memory_space<vmem>> -> memref<1x128x128xf32, #tpu.memory_space<vmem>>
    %dma_start3A_298 = tpu.memref_squeeze %dma_start3A_297 : memref<1x128x128xf32, #tpu.memory_space<vmem>> -> memref<128x128xf32, #tpu.memory_space<vmem>>
    %dma_start3A_299 = arith.constant 0 : i32
    %dma_start3A_300 = tpu.memref_slice %arg4[%add3A_292, %dma_start3A_299] : memref<819200x128xf32, #tpu.memory_space<hbm>> -> memref<128x128xf32, #tpu.memory_space<hbm>>
    %dma_start3A_301 = tpu.memref_slice %arg8[%dma_start3A_294] : memref<6x!tpu.dma_semaphore, #tpu.memory_space<semaphore_mem>> -> memref<1x!tpu.dma_semaphore, #tpu.memory_space<semaphore_mem>>
    %dma_start3A_302 = tpu.memref_squeeze %dma_start3A_301 : memref<1x!tpu.dma_semaphore, #tpu.memory_space<semaphore_mem>> -> memref<!tpu.dma_semaphore, #tpu.memory_space<semaphore_mem>>
    %dma_start3A_303 = arith.constant 0 : i32
    %dma_start3A_304 = tpu.memref_slice %arg4[%add3A_292, %dma_start3A_303] : memref<819200x128xf32, #tpu.memory_space<hbm>> -> memref<128x128xf32, #tpu.memory_space<hbm>>
    %dma_start3A_305 = arith.constant 0 : i32
    %dma_start3A_306 = arith.constant 0 : i32
    %dma_start3A_307 = tpu.memref_slice %arg6[%dma_start3A_293, %dma_start3A_305, %dma_start3A_306] : memref<6x128x128xf32, #tpu.memory_space<vmem>> -> memref<1x128x128xf32, #tpu.memory_space<vmem>>
    %dma_start3A_308 = tpu.memref_squeeze %dma_start3A_307 : memref<1x128x128xf32, #tpu.memory_space<vmem>> -> memref<128x128xf32, #tpu.memory_space<vmem>>
    tpu.enqueue_dma source(%dma_start3A_308 : memref<128x128xf32, #tpu.memory_space<vmem>>) target(%dma_start3A_304 : memref<128x128xf32, #tpu.memory_space<hbm>>) target_semaphore(%dma_start3A_302 : memref<!tpu.dma_semaphore, #tpu.memory_space<semaphore_mem>>)
    %add3A_309 = arith.constant 24832 : i32
    %add3A_310 = arith.addi %mul3A_2, %add3A_309 : i32
    %dma_wait3A_311 = arith.constant 2 : i32
    %dma_wait3A_312 = arith.constant 2 : i32
    %dma_wait3A_313 = arith.constant 0 : i32
    %dma_wait3A_314 = arith.constant 0 : i32
    %dma_wait3A_315 = tpu.memref_slice %arg6[%dma_wait3A_311, %dma_wait3A_313, %dma_wait3A_314] : memref<6x128x128xf32, #tpu.memory_space<vmem>> -> memref<1x128x128xf32, #tpu.memory_space<vmem>>
    %dma_wait3A_316 = tpu.memref_squeeze %dma_wait3A_315 : memref<1x128x128xf32, #tpu.memory_space<vmem>> -> memref<128x128xf32, #tpu.memory_space<vmem>>
    %dma_wait3A_317 = arith.constant 0 : i32
    %dma_wait3A_318 = tpu.memref_slice %arg4[%add3A_310, %dma_wait3A_317] : memref<819200x128xf32, #tpu.memory_space<hbm>> -> memref<128x128xf32, #tpu.memory_space<hbm>>
    %dma_wait3A_319 = tpu.memref_slice %arg8[%dma_wait3A_312] : memref<6x!tpu.dma_semaphore, #tpu.memory_space<semaphore_mem>> -> memref<1x!tpu.dma_semaphore, #tpu.memory_space<semaphore_mem>>
    %dma_wait3A_320 = tpu.memref_squeeze %dma_wait3A_319 : memref<1x!tpu.dma_semaphore, #tpu.memory_space<semaphore_mem>> -> memref<!tpu.dma_semaphore, #tpu.memory_space<semaphore_mem>>
    %dma_wait3A_321 = arith.constant 0 : i32
    %dma_wait3A_322 = tpu.memref_slice %arg4[%add3A_310, %dma_wait3A_321] : memref<819200x128xf32, #tpu.memory_space<hbm>> -> memref<128x128xf32, #tpu.memory_space<hbm>>
    %dma_wait3A_323 = arith.constant 0 : i32
    %dma_wait3A_324 = arith.constant 0 : i32
    %dma_wait3A_325 = tpu.memref_slice %arg6[%dma_wait3A_311, %dma_wait3A_323, %dma_wait3A_324] : memref<6x128x128xf32, #tpu.memory_space<vmem>> -> memref<1x128x128xf32, #tpu.memory_space<vmem>>
    %dma_wait3A_326 = tpu.memref_squeeze %dma_wait3A_325 : memref<1x128x128xf32, #tpu.memory_space<vmem>> -> memref<128x128xf32, #tpu.memory_space<vmem>>
    tpu.wait_dma2 semaphore(%dma_wait3A_320 : memref<!tpu.dma_semaphore, #tpu.memory_space<semaphore_mem>>) src(%dma_wait3A_326 : memref<128x128xf32, #tpu.memory_space<vmem>>) dst(%dma_wait3A_322 : memref<128x128xf32, #tpu.memory_space<hbm>>)
    %add3A_327 = arith.constant 24960 : i32
    %add3A_328 = arith.addi %mul3A_2, %add3A_327 : i32
    %dma_wait3A_329 = arith.constant 3 : i32
    %dma_wait3A_330 = arith.constant 3 : i32
    %dma_wait3A_331 = arith.constant 0 : i32
    %dma_wait3A_332 = arith.constant 0 : i32
    %dma_wait3A_333 = tpu.memref_slice %arg6[%dma_wait3A_329, %dma_wait3A_331, %dma_wait3A_332] : memref<6x128x128xf32, #tpu.memory_space<vmem>> -> memref<1x128x128xf32, #tpu.memory_space<vmem>>
    %dma_wait3A_334 = tpu.memref_squeeze %dma_wait3A_333 : memref<1x128x128xf32, #tpu.memory_space<vmem>> -> memref<128x128xf32, #tpu.memory_space<vmem>>
    %dma_wait3A_335 = arith.constant 0 : i32
    %dma_wait3A_336 = tpu.memref_slice %arg4[%add3A_328, %dma_wait3A_335] : memref<819200x128xf32, #tpu.memory_space<hbm>> -> memref<128x128xf32, #tpu.memory_space<hbm>>
    %dma_wait3A_337 = tpu.memref_slice %arg8[%dma_wait3A_330] : memref<6x!tpu.dma_semaphore, #tpu.memory_space<semaphore_mem>> -> memref<1x!tpu.dma_semaphore, #tpu.memory_space<semaphore_mem>>
    %dma_wait3A_338 = tpu.memref_squeeze %dma_wait3A_337 : memref<1x!tpu.dma_semaphore, #tpu.memory_space<semaphore_mem>> -> memref<!tpu.dma_semaphore, #tpu.memory_space<semaphore_mem>>
    %dma_wait3A_339 = arith.constant 0 : i32
    %dma_wait3A_340 = tpu.memref_slice %arg4[%add3A_328, %dma_wait3A_339] : memref<819200x128xf32, #tpu.memory_space<hbm>> -> memref<128x128xf32, #tpu.memory_space<hbm>>
    %dma_wait3A_341 = arith.constant 0 : i32
    %dma_wait3A_342 = arith.constant 0 : i32
    %dma_wait3A_343 = tpu.memref_slice %arg6[%dma_wait3A_329, %dma_wait3A_341, %dma_wait3A_342] : memref<6x128x128xf32, #tpu.memory_space<vmem>> -> memref<1x128x128xf32, #tpu.memory_space<vmem>>
    %dma_wait3A_344 = tpu.memref_squeeze %dma_wait3A_343 : memref<1x128x128xf32, #tpu.memory_space<vmem>> -> memref<128x128xf32, #tpu.memory_space<vmem>>
    tpu.wait_dma2 semaphore(%dma_wait3A_338 : memref<!tpu.dma_semaphore, #tpu.memory_space<semaphore_mem>>) src(%dma_wait3A_344 : memref<128x128xf32, #tpu.memory_space<vmem>>) dst(%dma_wait3A_340 : memref<128x128xf32, #tpu.memory_space<hbm>>)
    %add3A_345 = arith.constant 25088 : i32
    %add3A_346 = arith.addi %mul3A_2, %add3A_345 : i32
    %dma_wait3A_347 = arith.constant 4 : i32
    %dma_wait3A_348 = arith.constant 4 : i32
    %dma_wait3A_349 = arith.constant 0 : i32
    %dma_wait3A_350 = arith.constant 0 : i32
    %dma_wait3A_351 = tpu.memref_slice %arg6[%dma_wait3A_347, %dma_wait3A_349, %dma_wait3A_350] : memref<6x128x128xf32, #tpu.memory_space<vmem>> -> memref<1x128x128xf32, #tpu.memory_space<vmem>>
    %dma_wait3A_352 = tpu.memref_squeeze %dma_wait3A_351 : memref<1x128x128xf32, #tpu.memory_space<vmem>> -> memref<128x128xf32, #tpu.memory_space<vmem>>
    %dma_wait3A_353 = arith.constant 0 : i32
    %dma_wait3A_354 = tpu.memref_slice %arg4[%add3A_346, %dma_wait3A_353] : memref<819200x128xf32, #tpu.memory_space<hbm>> -> memref<128x128xf32, #tpu.memory_space<hbm>>
    %dma_wait3A_355 = tpu.memref_slice %arg8[%dma_wait3A_348] : memref<6x!tpu.dma_semaphore, #tpu.memory_space<semaphore_mem>> -> memref<1x!tpu.dma_semaphore, #tpu.memory_space<semaphore_mem>>
    %dma_wait3A_356 = tpu.memref_squeeze %dma_wait3A_355 : memref<1x!tpu.dma_semaphore, #tpu.memory_space<semaphore_mem>> -> memref<!tpu.dma_semaphore, #tpu.memory_space<semaphore_mem>>
    %dma_wait3A_357 = arith.constant 0 : i32
    %dma_wait3A_358 = tpu.memref_slice %arg4[%add3A_346, %dma_wait3A_357] : memref<819200x128xf32, #tpu.memory_space<hbm>> -> memref<128x128xf32, #tpu.memory_space<hbm>>
    %dma_wait3A_359 = arith.constant 0 : i32
    %dma_wait3A_360 = arith.constant 0 : i32
    %dma_wait3A_361 = tpu.memref_slice %arg6[%dma_wait3A_347, %dma_wait3A_359, %dma_wait3A_360] : memref<6x128x128xf32, #tpu.memory_space<vmem>> -> memref<1x128x128xf32, #tpu.memory_space<vmem>>
    %dma_wait3A_362 = tpu.memref_squeeze %dma_wait3A_361 : memref<1x128x128xf32, #tpu.memory_space<vmem>> -> memref<128x128xf32, #tpu.memory_space<vmem>>
    tpu.wait_dma2 semaphore(%dma_wait3A_356 : memref<!tpu.dma_semaphore, #tpu.memory_space<semaphore_mem>>) src(%dma_wait3A_362 : memref<128x128xf32, #tpu.memory_space<vmem>>) dst(%dma_wait3A_358 : memref<128x128xf32, #tpu.memory_space<hbm>>)
    %add3A_363 = arith.constant 25216 : i32
    %add3A_364 = arith.addi %mul3A_2, %add3A_363 : i32
    %dma_wait3A_365 = arith.constant 5 : i32
    %dma_wait3A_366 = arith.constant 5 : i32
    %dma_wait3A_367 = arith.constant 0 : i32
    %dma_wait3A_368 = arith.constant 0 : i32
    %dma_wait3A_369 = tpu.memref_slice %arg6[%dma_wait3A_365, %dma_wait3A_367, %dma_wait3A_368] : memref<6x128x128xf32, #tpu.memory_space<vmem>> -> memref<1x128x128xf32, #tpu.memory_space<vmem>>
    %dma_wait3A_370 = tpu.memref_squeeze %dma_wait3A_369 : memref<1x128x128xf32, #tpu.memory_space<vmem>> -> memref<128x128xf32, #tpu.memory_space<vmem>>
    %dma_wait3A_371 = arith.constant 0 : i32
    %dma_wait3A_372 = tpu.memref_slice %arg4[%add3A_364, %dma_wait3A_371] : memref<819200x128xf32, #tpu.memory_space<hbm>> -> memref<128x128xf32, #tpu.memory_space<hbm>>
    %dma_wait3A_373 = tpu.memref_slice %arg8[%dma_wait3A_366] : memref<6x!tpu.dma_semaphore, #tpu.memory_space<semaphore_mem>> -> memref<1x!tpu.dma_semaphore, #tpu.memory_space<semaphore_mem>>
    %dma_wait3A_374 = tpu.memref_squeeze %dma_wait3A_373 : memref<1x!tpu.dma_semaphore, #tpu.memory_space<semaphore_mem>> -> memref<!tpu.dma_semaphore, #tpu.memory_space<semaphore_mem>>
    %dma_wait3A_375 = arith.constant 0 : i32
    %dma_wait3A_376 = tpu.memref_slice %arg4[%add3A_364, %dma_wait3A_375] : memref<819200x128xf32, #tpu.memory_space<hbm>> -> memref<128x128xf32, #tpu.memory_space<hbm>>
    %dma_wait3A_377 = arith.constant 0 : i32
    %dma_wait3A_378 = arith.constant 0 : i32
    %dma_wait3A_379 = tpu.memref_slice %arg6[%dma_wait3A_365, %dma_wait3A_377, %dma_wait3A_378] : memref<6x128x128xf32, #tpu.memory_space<vmem>> -> memref<1x128x128xf32, #tpu.memory_space<vmem>>
    %dma_wait3A_380 = tpu.memref_squeeze %dma_wait3A_379 : memref<1x128x128xf32, #tpu.memory_space<vmem>> -> memref<128x128xf32, #tpu.memory_space<vmem>>
    tpu.wait_dma2 semaphore(%dma_wait3A_374 : memref<!tpu.dma_semaphore, #tpu.memory_space<semaphore_mem>>) src(%dma_wait3A_380 : memref<128x128xf32, #tpu.memory_space<vmem>>) dst(%dma_wait3A_376 : memref<128x128xf32, #tpu.memory_space<hbm>>)
    %add3A_381 = arith.constant 25344 : i32
    %add3A_382 = arith.addi %mul3A_2, %add3A_381 : i32
    %dma_wait3A_383 = arith.constant 0 : i32
    %dma_wait3A_384 = arith.constant 0 : i32
    %dma_wait3A_385 = arith.constant 0 : i32
    %dma_wait3A_386 = arith.constant 0 : i32
    %dma_wait3A_387 = tpu.memref_slice %arg6[%dma_wait3A_383, %dma_wait3A_385, %dma_wait3A_386] : memref<6x128x128xf32, #tpu.memory_space<vmem>> -> memref<1x128x128xf32, #tpu.memory_space<vmem>>
    %dma_wait3A_388 = tpu.memref_squeeze %dma_wait3A_387 : memref<1x128x128xf32, #tpu.memory_space<vmem>> -> memref<128x128xf32, #tpu.memory_space<vmem>>
    %dma_wait3A_389 = arith.constant 0 : i32
    %dma_wait3A_390 = tpu.memref_slice %arg4[%add3A_382, %dma_wait3A_389] : memref<819200x128xf32, #tpu.memory_space<hbm>> -> memref<128x128xf32, #tpu.memory_space<hbm>>
    %dma_wait3A_391 = tpu.memref_slice %arg8[%dma_wait3A_384] : memref<6x!tpu.dma_semaphore, #tpu.memory_space<semaphore_mem>> -> memref<1x!tpu.dma_semaphore, #tpu.memory_space<semaphore_mem>>
    %dma_wait3A_392 = tpu.memref_squeeze %dma_wait3A_391 : memref<1x!tpu.dma_semaphore, #tpu.memory_space<semaphore_mem>> -> memref<!tpu.dma_semaphore, #tpu.memory_space<semaphore_mem>>
    %dma_wait3A_393 = arith.constant 0 : i32
    %dma_wait3A_394 = tpu.memref_slice %arg4[%add3A_382, %dma_wait3A_393] : memref<819200x128xf32, #tpu.memory_space<hbm>> -> memref<128x128xf32, #tpu.memory_space<hbm>>
    %dma_wait3A_395 = arith.constant 0 : i32
    %dma_wait3A_396 = arith.constant 0 : i32
    %dma_wait3A_397 = tpu.memref_slice %arg6[%dma_wait3A_383, %dma_wait3A_395, %dma_wait3A_396] : memref<6x128x128xf32, #tpu.memory_space<vmem>> -> memref<1x128x128xf32, #tpu.memory_space<vmem>>
    %dma_wait3A_398 = tpu.memref_squeeze %dma_wait3A_397 : memref<1x128x128xf32, #tpu.memory_space<vmem>> -> memref<128x128xf32, #tpu.memory_space<vmem>>
    tpu.wait_dma2 semaphore(%dma_wait3A_392 : memref<!tpu.dma_semaphore, #tpu.memory_space<semaphore_mem>>) src(%dma_wait3A_398 : memref<128x128xf32, #tpu.memory_space<vmem>>) dst(%dma_wait3A_394 : memref<128x128xf32, #tpu.memory_space<hbm>>)
    %add3A_399 = arith.constant 25472 : i32
    %add3A_400 = arith.addi %mul3A_2, %add3A_399 : i32
    %dma_wait3A_401 = arith.constant 1 : i32
    %dma_wait3A_402 = arith.constant 1 : i32
    %dma_wait3A_403 = arith.constant 0 : i32
    %dma_wait3A_404 = arith.constant 0 : i32
    %dma_wait3A_405 = tpu.memref_slice %arg6[%dma_wait3A_401, %dma_wait3A_403, %dma_wait3A_404] : memref<6x128x128xf32, #tpu.memory_space<vmem>> -> memref<1x128x128xf32, #tpu.memory_space<vmem>>
    %dma_wait3A_406 = tpu.memref_squeeze %dma_wait3A_405 : memref<1x128x128xf32, #tpu.memory_space<vmem>> -> memref<128x128xf32, #tpu.memory_space<vmem>>
    %dma_wait3A_407 = arith.constant 0 : i32
    %dma_wait3A_408 = tpu.memref_slice %arg4[%add3A_400, %dma_wait3A_407] : memref<819200x128xf32, #tpu.memory_space<hbm>> -> memref<128x128xf32, #tpu.memory_space<hbm>>
    %dma_wait3A_409 = tpu.memref_slice %arg8[%dma_wait3A_402] : memref<6x!tpu.dma_semaphore, #tpu.memory_space<semaphore_mem>> -> memref<1x!tpu.dma_semaphore, #tpu.memory_space<semaphore_mem>>
    %dma_wait3A_410 = tpu.memref_squeeze %dma_wait3A_409 : memref<1x!tpu.dma_semaphore, #tpu.memory_space<semaphore_mem>> -> memref<!tpu.dma_semaphore, #tpu.memory_space<semaphore_mem>>
    %dma_wait3A_411 = arith.constant 0 : i32
    %dma_wait3A_412 = tpu.memref_slice %arg4[%add3A_400, %dma_wait3A_411] : memref<819200x128xf32, #tpu.memory_space<hbm>> -> memref<128x128xf32, #tpu.memory_space<hbm>>
    %dma_wait3A_413 = arith.constant 0 : i32
    %dma_wait3A_414 = arith.constant 0 : i32
    %dma_wait3A_415 = tpu.memref_slice %arg6[%dma_wait3A_401, %dma_wait3A_413, %dma_wait3A_414] : memref<6x128x128xf32, #tpu.memory_space<vmem>> -> memref<1x128x128xf32, #tpu.memory_space<vmem>>
    %dma_wait3A_416 = tpu.memref_squeeze %dma_wait3A_415 : memref<1x128x128xf32, #tpu.memory_space<vmem>> -> memref<128x128xf32, #tpu.memory_space<vmem>>
    tpu.wait_dma2 semaphore(%dma_wait3A_410 : memref<!tpu.dma_semaphore, #tpu.memory_space<semaphore_mem>>) src(%dma_wait3A_416 : memref<128x128xf32, #tpu.memory_space<vmem>>) dst(%dma_wait3A_412 : memref<128x128xf32, #tpu.memory_space<hbm>>)
    return
  }
}

</mosaic_0001>

<sc_bundles>
// kernel: kernel.3.cloned.1.call-start
scs
__scs_entry_jumppad:
0x0: {  	(pc) =	sbr.rel $0x88, $3  }
0x1: {  	(tag) =	ssettag $0x0;
	lr =	simm.s32 $0x1  }
0x2: {  	[smem:$0x3F9F] =	sst lr;
	_ =	strace $0xD0000000  }
0x3: {  	_ = 	snop  }
0x4: {  	_ = 	snop  }
0x5: {  	_ = 	snop  }
0x6: {  	_ = 	snop  }
0x7: {  	_ = 	snop  }
__scs_overlays_trampoline_lowered:
0x8: {  	[smem:$0x3FAE] =	sst s0  }
0x9: {  	[smem:$0x3FAF] =	sst s1  }
0xa: {  	[smem:$0x3FB0] =	sst s2  }
0xb: {  	[smem:$0x3FB1] =	sst s3  }
0xc: {  	[smem:$0x3FB2] =	sst s4  }
0xd: {  	[smem:$0x3FB3] =	sst s5  }
0xe: {  	[smem:$0x3FB4] =	sst s6  }
0xf: {  	[smem:$0x3FB5] =	sst s7  }
0x10: {  	[smem:$0x3FB6] =	sst s8  }
0x11: {  	[smem:$0x3FB7] =	sst s9;
	s0 =	simm.s32 @!p0 $0x0  }
0x12: {  	s1 =	sld [smem:$0x3F9D];
	s0 =	simm.s32 @p0 $0x1  }
0x13: {  	[smem:$0x3FB8] =	sst s0;
	s0 =	simm.s32 @!p1 $0x0  }
0x14: {  	s2 =	sld [smem:$0x3F9C];
	s0 =	simm.s32 @p1 $0x1  }
0x15: {  	[smem:$0x3FB9] =	sst s0;
	s0 =	simm.s32 @!p2 $0x0  }
0x16: {  	s3 =	sld [smem:$0x3FDB];
	s0 =	simm.s32 @p2 $0x1  }
0x17: {  	s4 =	simm.s32 $0x1BF5;
	[smem:$0x3FBB] =	sst s0  }
0x18: {  	s0 =	sld [smem:$0x3F9E];
	_ =	swait.ge [sflag:s4], $0x0  }
0x19: {  	s7 =	sld [smem:$0x3F9F]  }
0x1a: {  	s8 =	sadd.s32 $0xFFFFE003, lr  }
0x1b: {  	s9 =	sadd.s32 $0xFFFFFEF7, lr;
	s5 =	simm.s32 $0xFFFFFFFF;
	p2 =	slt.u32 s8, $0xFFFFF086  }
0x1c: {  	p1 =	slt.u32 s9, $0xF7A;
	s5 =	simm.s32 @!p2 $0x0  }
0x1d: {  	s5 =	simm.s32 @p1 $0x1;
	p0 =	seq.s32 s7, s2  }
0x1e: {  	s7 =	smul.u32 @!p0 $0xF7A, s2;
	p2 =	seq.s32 @!p0 s5, $0x0  }
0x1f: {  	s9 =	smul.u32 $0xF7A, s1;
	s8 =	simm.s32 @!p0 $0x1BF5;
	p2 =	por !p2, p0  }
0x20: {  	[sflag:s8] =	ssyncset.s32 @!p0 $0xFFFFF086;
	s6 =	sadd.s32 @!p0 s3, s7;
	s7 =	simm.s32 @!p0 $0x108  }
0x21: {  	s3 =	sadd.s32 s3, s9;
	s6 =	sadd.s32 @!p0 $0x88, s6;
	s7 =	simm.s32 @p2 $0x1082  }
0x22: {  	[simem:s7], [sflag:s8] =	dma.local @!p0 [hbm:s6], $0xF7A  }
0x23: {  	s9 =	sor.u32 $0xD0000000, s2;
	s6 =	simm.s32 $0x108;
	_ =	swait.ge @!p0 [sflag:s8], $0x0  }
0x24: {  	s3 =	sadd.s32 $0x88, s3;
	s6 =	simm.s32 @!p1 $0x1082;
	[sflag:s4] =	ssyncset.s32 $0xFFFFF086  }
0x25: {  	[simem:s6], [sflag:s4] =	dma.local [hbm:s3], $0xF7A  }
0x26: {  	[smem:$0x3F9F] =	sst s1;
	(tag) =	ssettag s2;
	_ =	strace s9  }
0x27: {  	s1 =	sld [smem:$0x3FAF]  }
0x28: {  	s2 =	sld [smem:$0x3FB0]  }
0x29: {  	s4 =	sld [smem:$0x3FB2]  }
0x2a: {  	p0 =	seq.s32 s5, $0x0;
	s5 =	sld [smem:$0x3FB3]  }
0x2b: {  	s6 =	sld [smem:$0x3FB4]  }
0x2c: {  	s7 =	sld [smem:$0x3FB5]  }
0x2d: {  	s3 =	simm.s32 $0x108;
	s8 =	sld [smem:$0x3FB6]  }
0x2e: {  	s3 =	simm.s32 @!p0 $0x1082;
	s9 =	sld [smem:$0x3FB7]  }
0x2f: {  	lr =	sadd.s32 s0, s3;
	s0 =	sld [smem:$0x3FAE]  }
0x30: {  	s3 =	sld [smem:$0x3FB1]  }
0x31: {  	[smem:$0x3FBA] =	sst s10  }
0x32: {  	s10 =	sld [smem:$0x3FB8];
	_ =	sdelay $0x3  }
0x33: {  	p0 =	seq.s32 s10, $0x1;
	s10 =	sld [smem:$0x3FBA];
	_ =	sdelay $0x3  }
0x34: {  	[smem:$0x3FBA] =	sst s10  }
0x35: {  	s10 =	sld [smem:$0x3FB9];
	_ =	sdelay $0x3  }
0x36: {  	p1 =	seq.s32 s10, $0x1;
	s10 =	sld [smem:$0x3FBA];
	_ =	sdelay $0x3  }
0x37: {  	[smem:$0x3FBA] =	sst s10  }
0x38: {  	s10 =	sld [smem:$0x3FBB]  }
0x39: {  	_ = 	snop;
	(pc) =	sbr.ind lr, $3  }
0x3a: {  	_ = 	snop  }
0x3b: {  	_ = 	snop  }
0x3c: {  	p2 =	seq.s32 s10, $0x1;
	s10 =	sld [smem:$0x3FBA]  }
0x3d: {  	_ =	shalt  }
0x3e: {  	_ =	shalt  }
0x3f: {  	_ =	shalt  }
0x40: {  	_ =	shalt  }
0x41: {  	_ =	shalt  }
0x42: {  	_ =	shalt  }
0x43: {  	_ =	shalt  }
0x44: {  	_ =	shalt  }
0x45: {  	_ =	shalt  }
0x46: {  	_ =	shalt  }
0x47: {  	_ =	shalt  }
0x48: {  	_ =	shalt  }
0x49: {  	_ =	shalt  }
0x4a: {  	_ =	shalt  }
0x4b: {  	_ =	shalt  }
0x4c: {  	_ =	shalt  }
0x4d: {  	_ =	shalt  }
0x4e: {  	_ =	shalt  }
0x4f: {  	_ =	shalt  }
0x50: {  	_ =	shalt  }
0x51: {  	_ =	shalt  }
0x52: {  	_ =	shalt  }
0x53: {  	_ =	shalt  }
0x54: {  	_ =	shalt  }
0x55: {  	_ =	shalt  }
0x56: {  	_ =	shalt  }
0x57: {  	_ =	shalt  }
0x58: {  	_ =	shalt  }
0x59: {  	_ =	shalt  }
0x5a: {  	_ =	shalt  }
0x5b: {  	_ =	shalt  }
0x5c: {  	_ =	shalt  }
0x5d: {  	_ =	shalt  }
0x5e: {  	_ =	shalt  }
0x5f: {  	_ =	shalt  }
0x60: {  	_ =	shalt  }
0x61: {  	_ =	shalt  }
0x62: {  	_ =	shalt  }
0x63: {  	_ =	shalt  }
0x64: {  	_ =	shalt  }
0x65: {  	_ =	shalt  }
0x66: {  	_ =	shalt  }
0x67: {  	_ =	shalt  }
0x68: {  	_ =	shalt  }
0x69: {  	_ =	shalt  }
0x6a: {  	_ =	shalt  }
0x6b: {  	_ =	shalt  }
0x6c: {  	_ =	shalt  }
0x6d: {  	_ =	shalt  }
0x6e: {  	_ =	shalt  }
0x6f: {  	_ =	shalt  }
0x70: {  	_ =	shalt  }
0x71: {  	_ =	shalt  }
0x72: {  	_ =	shalt  }
0x73: {  	_ =	shalt  }
0x74: {  	_ =	shalt  }
0x75: {  	_ =	shalt  }
0x76: {  	_ =	shalt  }
0x77: {  	_ =	shalt  }
0x78: {  	_ =	shalt  }
0x79: {  	_ =	shalt  }
0x7a: {  	_ =	shalt  }
0x7b: {  	_ =	shalt  }
0x7c: {  	_ =	shalt  }
0x7d: {  	_ =	shalt  }
0x7e: {  	_ =	shalt  }
0x7f: {  	_ =	shalt  }
0x80: {  	_ =	shalt  }
0x81: {  	_ =	shalt  }
0x82: {  	_ =	shalt  }
0x83: {  	_ =	shalt  }
0x84: {  	_ =	shalt  }
0x85: {  	_ =	shalt  }
0x86: {  	_ =	shalt  }
0x87: {  	_ =	shalt  }
.Lfunc_end0:
.L_simem_size_0:
called_computation.1_lowered:
.L_overlay_start_0:
0x88: {  	s2 =	sld [smem:$0x3FD9]  }
0x89: {  	s3 =	sld [smem:$0x3FFE];
	_ =	sdelay $0x1  }
0x8a: {  	s1 =	srdreg.scid  }
0x8b: {  	s0 =	sand.u32 $0x1, s1  }
0x8c: {  	s17 =	sshll.u32 s0, $0xA;
	s2 =	sadd.s32 s3, s2  }
0x8d: {  	s2 =	sadd.s32 s2, s17  }
0x8e: {  	[smem:$0x3FC6] =	sst s2  }
0x8f: {  	_ = 	snop  }
0x90: {  	s2 =	sld [smem:$0x3FD0];
	(tm) =	ssettm $0x1  }
0x91: {  	s18 =	sld [smem:$0x3FFB];
	_ =	sdelay $0x3  }
0x92: {  	_ =	strace s18  }
0x93: {  	s3 =	sld [smem:$0x3FFC];
	_ =	sdelay $0x3  }
0x94: {  	_ =	strace s3  }
0x95: {  	s3 =	sld [smem:$0x3FFD];
	_ =	sdelay $0x3  }
0x96: {  	_ =	strace s3  }
0x97: {  	_ =	strace $0x8FFFFFFF  }
0x98: {  	s19 =	sld [smem:$0x3FDB];
	_ =	sdelay $0x1  }
0x99: {  	s4 =	simm.s32 $_scs_section_size  }
0x9a: {  	s5 =	simm.s32 $_size__tile_overlayer_lowered;
	s6 =	simm.s32 $_tile_overlayer_lowered  }
0x9b: {  	s22 =	simm.s32 $0x1BFF;
	s21 =	sshll.u32 s6, $0x1;
	s3 =	sadd.s32 s4, s19  }
0x9c: {  	s7 =	simm.s32 $0x0;
	s20 =	sshll.u32 s5, $0x1;
	s5 =	sadd.s32 s21, s3  }
0x9d: {  	[timem:s7], [sflag:s22] =	dma.local [hbm:s5], s20  }
0x9e: {  	_ =	swait.ge [sflag:s22], s20  }
0x9f: {  	s4 =	ssub.s32 $0x0, s20;
	[sflag:s22] =	ssyncset.done $0x0  }
0xa0: {  	[sflag:s22] =	ssyncadd.s32 s4;
	_ =	sdelay $0x1  }
0xa1: {  	s23 =	simm.s32 $0x1B8B  }
0xa2: {  	_ =	swait.ge [sflag:s23], $0x1  }
0xa3: {  	[sflag:s23] =	ssyncset.done $0x0  }
0xa4: {  	s25 =	simm.s32 $0x1B8E;
	s24 =	sld [smem:$0x3FFE];
	[sflag:s23] =	ssyncadd.s32 $0xFFFFFFFF  }
0xa5: {  	s26 =	simm.s32 $execute0_lowered;
	[smem:$0x3FD2] =	sst s25  }
0xa6: {  	s5 =	sshll.u32 s26, $0x1;
	_ =	strace $0x80000046;
	[dreg:$0x1] =	wrdreg $0xFFFFFFFF  }
0xa7: {  	s28 =	simm.s32 $_size_execute0_lowered;
	s3 =	sadd.s32 s3, s5;
	[dreg:$0x0] =	wrdreg $0x0  }
0xa8: {  	s5 =	sshll.u32 s28, $0x1;
	[dreg:$0x2] =	wrdreg s3  }
0xa9: {  	[dreg:$0x3] =	wrdreg s5  }
0xaa: {  	[dreg:$0x4] =	wrdreg $0xC0  }
0xab: {  	_ =	task [dreg:s7], $0x5FFFF  }
0xac: {  	[dreg:$0x1] =	wrdreg $0xFFFFFFFF  }
0xad: {  	[dreg:$0x0] =	wrdreg $0x60  }
0xae: {  	[dreg:$0x2] =	wrdreg s24  }
0xaf: {  	[dreg:$0x3] =	wrdreg s2  }
0xb0: {  	[dreg:$0x4] =	wrdreg $0x9  }
0xb1: {  	_ =	task.clear_ibuf [dreg:s7], $0x5FFFF;
	_ =	strace $0x90000046  }
0xb2: {  	s29 =	simm.s32 $0x9;
	_ =	strace $0x80000048  }
0xb3: {  	_ =	swait.ge [sflag:s29], $0x1  }
0xb4: {  	[sflag:s29] =	ssyncadd.s32 $0xFFFFFFFF  }
0xb5: {  	_ =	strace $0x90000048  }
0xb6: {  	_ =	sfence  }
0xb7: {  	s30 =	sld [smem:$0x0];
	_ =	sdelay $0x2  }
0xb8: {  	s31 =	sshll.u32 s1, $0xD;
	s1 =	sshrl.u32 s1, $0x2  }
0xb9: {  	s3 =	sand.u32 $0x4000, s31;
	s1 =	sadd.s32 s1, s30  }
0xba: {  	s0 =	sor.u32 s3, s0;
	s1 =	sshll.u32 s1, $0x11  }
0xbb: {  	s0 =	sor.u32 s1, s0  }
0xbc: {  	s0 =	sadd.s32 $0x8F2B, s0  }
0xbd: {  	[sflag:s0] =	ssyncadd.remote.s32 $0x1  }
0xbe: {  	_ =	sfence.sel $0xFFFF  }
0xbf: {  	[dreg:$0x0] =	wrdreg $0xFFFFFFFF;
	(pc) =	sbr.abs _section_cstart, $3  }
0xc0: {  	[dreg:$0x1] =	wrdreg $0xFFFFFFFF  }
0xc1: {  	_ =	task.clear_ibuf [dreg:s7], $0x2FFFF;
	_ =	strace $0x9FFFFFFF  }
0xc2: {  	(tm) =	ssettm $0x7FFFFFFF  }
0xc3: {  	_ =	shalt  }
tec
execute0_lowered:
.L_overlay_start_1:
0x0: {  	(tag) =	ssettag $0x1  }
0x1: {  	s0 =	rddreg [dreg:$0x0]  }
0x2: {  	s1 =	rddreg [dreg:$0x1];
	s2 =	simm.s32 $0x0  }
0x3: {  	s3 =	srdreg.scid;
	s10 =	stileid.u32;
	s15 =	simm.s32 $0x80  }
0x4: {  	s17 =	simm.s32 $0xA400;
	s29 =	simm.s32 $0x4;
	s21 =	smul.u32 $0x640000, s10  }
0x5: {  	s30 =	simm.s32 $0x9;
	s5 =	sand.u32 $0x1, s3;
	s23 =	smul.u32 $0xC8000, s10  }
0x6: {  	s31 =	simm.s32 $0xA;
	s18 =	sshll.u32 s10, $0x1;
	s22 =	smul.u32 $0x320000, s5  }
0x7: {  	s6 =	sor.u32 s5, s18;
	s4 =	ssub.s32 $0x2, s5;
	s5 =	smul.u32 $0x64000, s5  }
0x8: {  	[smem:$0x7FF] =	sst s2;
	s3 =	sadd.s32 $0xF42E00, s0;
	s7 =	smul.u32 $0x64000, s6  }
0x9: {  	s0 =	sadd.s32 $0xA00, s0;
	_ =	strace $0x80000047;
	s9 =	smul.u32 $0xC80, s6  }
0xa: {  	s18 =	simm.s32 $0x7;
	s8 =	sshrl.u32 s4, $0x1;
	s6 =	smul.u32 $0x320000, s6  }
0xb: {  	s26 =	sadd.s32 s23, s0;
	s23 =	simm.s32 $0x2;
	s1 =	sadd.s32 s1, s9  }
0xc: {  	s8 =	ssub.s32 s4, s8;
	s19 =	sadd.s32 s0, s7;
	[dreg:$0x4] =	wrdreg s1  }
0xd: {  	s5 =	sadd.s32 s5, s26;
	s28 =	smax.u32 s8, $0x1;
	[dreg:$0x3] =	wrdreg s19  }
0xe: {  	s6 =	sshrl.u32 s6, $0x3;
	s20 =	sadd.s32 $0x800, s19;
	[dreg:$0xa] =	wrdreg s28  }
0xf: {  	s7 =	sadd.s32 $0x1000, s19;
	s4 =	sadd.s32 $0x1800, s19;
	[dreg:$0x5] =	wrdreg s20  }
0x10: {  	s6 =	sadd.s32 s0, s6;
	s1 =	sadd.s32 s22, s21;
	[dreg:$0x6] =	wrdreg s7  }
0x11: {  	s22 =	simm.s32 $0x1;
	[dreg:$0x7] =	wrdreg s4;
	s24 =	sadd.s32 $0x63000, s6  }
0x12: {  	s25 =	sadd.s32 $0x63800, s6;
	s1 =	sor.u32 $0x10000, s1;
	s7 =	sadd.s32 $0x2800, s5  }
0x13: {  	s5 =	simm.s32 $0x6400;
	s20 =	simm.s32 $0x8;
	[dreg:$0x8] =	wrdreg s24  }
0x14: {  	[dreg:$0x9] =	wrdreg s25;
	s1 =	sshrl.u32 s1, $0x3;
	s24 =	simm.s32 $0x0  }
0x15: {  	s13 =	sadd.s32 s1, s0;
	s0 =	simm.s32 $0xB;
	s1 =	simm.s32 $0xC  }
.LBB2_1:
0x16: {  	s4 =	rddreg [dreg:$0x4];
	s21 =	simm.s32 $0xD  }
0x17: {  	[tilespmem:s2], [sflag:$0xD] =	stream.linear.gather [hbm4b:s4+s2], $0x6400, $0x38;
	[tilespmem:$0x1E400] =	vst v63  }
0x18: {  	_ =	swait.ge [sflag:s21], $0x6400  }
0x19: {  	[sflag:s21] =	ssyncset.done $0x0  }
0x1a: {  	[sflag:s21] =	ssyncadd.s32 $0xFFFF9C00  }
0x1b: {  	[tilespmem:s5], [sflag:$0x1] =	stream.indirect.gather [hbm4b:s3+s15], $0x80, s2, s15, $0xb8;
	[tilespmem:$0x1E400] =	vst v63  }
0x1c: {  	_ = 	snop  }
0x1d: {  	[tilespmem:s17], [sflag:$0x2] =	stream.indirect.gather [hbm4b:s3+s15], $0x80, s15, s15, $0xb8;
	[tilespmem:$0x1E400] =	vst v63  }
0x1e: {  	s25 =	simm.s32 $0x100;
	s6 =	simm.s32 $0xE400  }
0x1f: {  	[tilespmem:s6], [sflag:$0x3] =	stream.indirect.gather [hbm4b:s3+s15], $0x80, s25, s15, $0xb8;
	[tilespmem:$0x1E400] =	vst v63  }
0x20: {  	s26 =	simm.s32 $0x180;
	s8 =	simm.s32 $0x12400  }
0x21: {  	[tilespmem:s8], [sflag:$0x4] =	stream.indirect.gather [hbm4b:s3+s15], $0x80, s26, s15, $0xb8;
	[tilespmem:$0x1E400] =	vst v63  }
0x22: {  	_ =	swait.ge [sflag:s22], $0x4000  }
0x23: {  	[sflag:s22] =	ssyncset.done $0x0  }
0x24: {  	s9 =	rddreg [dreg:$0x3];
	[sflag:s22] =	ssyncadd.s32 $0xFFFFC000  }
0x25: {  	[hbm4b:s9+s2] =	stream.linear.scatter [tilespmem:s5], [sflag:$0x7], $0x4000, $0x38;
	[tilespmem:$0x1E400] =	vst v63  }
0x26: {  	_ =	swait.ge [sflag:s23], $0x4000  }
0x27: {  	s11 =	simm.s32 $0x200;
	[sflag:s23] =	ssyncset.done $0x0  }
0x28: {  	s19 =	simm.s32 $0x3;
	s10 =	rddreg [dreg:$0x5];
	[sflag:s23] =	ssyncadd.s32 $0xFFFFC000  }
0x29: {  	[hbm4b:s10+s2] =	stream.linear.scatter [tilespmem:s17], [sflag:$0x8], $0x4000, $0x38;
	[tilespmem:$0x1E400] =	vst v63  }
0x2a: {  	s12 =	simm.s32 $0x16400;
	s14 =	simm.s32 $0x280;
	s5 =	smul.u32 $0xAB, s19  }
0x2b: {  	[tilespmem:s12], [sflag:$0x5] =	stream.indirect.gather [hbm4b:s3+s15], $0x80, s11, s15, $0xb8;
	[tilespmem:$0x1E400] =	vst v63  }
0x2c: {  	s16 =	simm.s32 $0x1A400;
	s25 =	sshrl.u32 s5, $0x9;
	s5 =	sadd.s32 $0xFFFFFF55, s5  }
0x2d: {  	[tilespmem:s16], [sflag:$0x6] =	stream.indirect.gather [hbm4b:s3+s15], $0x80, s14, s15, $0xb8;
	[tilespmem:$0x1E400] =	vst v63  }
0x2e: {  	s5 =	sshrl.u32 s5, $0x9;
	_ =	swait.ge [sflag:s19], $0x4000  }
0x2f: {  	s5 =	sand.u32 $0x7F, s5;
	[sflag:s19] =	ssyncset.done $0x0  }
0x30: {  	s5 =	smul.u32 $0x3, s5;
	s21 =	rddreg [dreg:$0x6];
	[sflag:s19] =	ssyncadd.s32 $0xFFFFC000  }
0x31: {  	[hbm4b:s21+s2] =	stream.linear.scatter [tilespmem:s6], [sflag:$0x9], $0x4000, $0x38;
	[tilespmem:$0x1E400] =	vst v63  }
0x32: {  	s6 =	sand.u32 $0x7F, s25  }
0x33: {  	s5 =	sxor.u32 $0xFFFFFFFF, s5;
	_ =	swait.ge [sflag:s29], $0x4000;
	s6 =	smul.u32 $0x3, s6  }
0x34: {  	s5 =	sadd.s32 $0x3, s5;
	[sflag:s29] =	ssyncset.done $0x0  }
0x35: {  	s26 =	rddreg [dreg:$0x7];
	[sflag:s29] =	ssyncadd.s32 $0xFFFFC000;
	s6 =	ssub.s32 $0x3, s6  }
0x36: {  	[hbm4b:s26+s2] =	stream.linear.scatter [tilespmem:s8], [sflag:$0xA], $0x4000, $0x38;
	[tilespmem:$0x1E400] =	vst v63  }
0x37: {  	s14 =	sand.u32 $0xFF, s5;
	s5 =	simm.s32 $0x4;
	s6 =	sand.u32 $0xFF, s6  }
0x38: {  	s28 =	simm.s32 $0x480;
	s21 =	smul.u32 $0xAB, s5;
	s9 =	sshll.u32 s6, $0x1  }
0x39: {  	s4 =	simm.s32 $0x380;
	s12 =	simm.s32 $0x300;
	s11 =	sadd.s32 $0x7, s9  }
0x3a: {  	s25 =	sadd.s32 $0x1000, s13;
	s8 =	sshrl.u32 s21, $0x9;
	_ =	swait.ge [sflag:s11], $0x4000  }
0x3b: {  	s10 =	sshll.u32 s6, $0xF;
	s6 =	sshllo.u32 s6, $0x1;
	[sflag:s11] =	ssyncset.done $0x0  }
0x3c: {  	s19 =	sor.u32 $0x8, s9;
	s10 =	sor.u32 $0x6400, s10;
	[sflag:s11] =	ssyncadd.s32 $0xFFFFC000  }
0x3d: {  	[tilespmem:s10], [sflag:s6] =	stream.indirect.gather [hbm4b:s3+s15], $0x80, s12, s15, $0xb8;
	[tilespmem:$0x1E400] =	vst v63  }
0x3e: {  	s9 =	sadd.s32 $0x2, s9;
	s6 =	sshll.u32 s6, $0xE;
	_ =	swait.ge [sflag:s19], $0x4000  }
0x3f: {  	s10 =	sshll.u32 s14, $0xF;
	s12 =	smov.u32 s7;
	[sflag:s19] =	ssyncset.done $0x0  }
0x40: {  	s16 =	sadd.s32 $0x6400, s6;
	[sflag:s19] =	ssyncadd.s32 $0xFFFFC000;
	s19 =	sshllo.u32 s14, $0x1  }
0x41: {  	[tilespmem:s16], [sflag:s9] =	stream.indirect.gather [hbm4b:s3+s15], $0x80, s4, s15, $0xb8;
	[tilespmem:$0x1E400] =	vst v63  }
0x42: {  	s6 =	simm.s32 $0x5;
	s10 =	sor.u32 $0x6400, s10;
	_ =	swait.ge [sflag:s19], $0x4000  }
0x43: {  	s9 =	sshll.u32 s14, $0x1;
	s11 =	sshll.u32 s19, $0xE;
	[sflag:s19] =	ssyncset.done $0x0  }
0x44: {  	s26 =	sadd.s32 $0x7, s9;
	[sflag:s19] =	ssyncadd.s32 $0xFFFFC000;
	s19 =	sadd.s32 $0x2, s9  }
0x45: {  	[hbm4b:s13+s2] =	stream.linear.scatter [tilespmem:s10], [sflag:s26], $0x4000, $0x38;
	[tilespmem:$0x1E400] =	vst v63  }
0x46: {  	s26 =	sadd.s32 $0x1000, s7;
	s10 =	sadd.s32 $0xFFFFFF55, s21;
	_ =	swait.ge [sflag:s19], $0x4000  }
.LBB2_2:
0x47: {  	s21 =	sand.u32 $0x7F, s8;
	[sflag:s19] =	ssyncset.done $0x0  }
0x48: {  	s11 =	sadd.s32 $0x6400, s11;
	s4 =	smov.u32 s6;
	s8 =	smov.u32 s25  }
0x49: {  	s9 =	sor.u32 $0x8, s9;
	s21 =	smul.u32 $0x3, s21;
	[sflag:s19] =	ssyncadd.s32 $0xFFFFC000  }
0x4a: {  	[hbm4b:s12+s2] =	stream.linear.scatter [tilespmem:s11], [sflag:s9], $0x4000, $0x38;
	[tilespmem:$0x1E400] =	vst v63  }
0x4b: {  	p0 =	sne.s32 s6, $0x63;
	s6 =	sadd.s32 $0x1, s6;
	s9 =	ssub.s32 s5, s21  }
0x4c: {  	s12 =	smov.u32 s26;
	s9 =	sand.u32 $0xFF, s9  }
0x4d: {  	s11 =	sshll.u32 s9, $0x1;
	s19 =	sshll.u32 s9, $0xF  }
0x4e: {  	s14 =	sadd.s32 $0xFFFFFF80, s28;
	s10 =	sshrl.u32 s10, $0x9;
	s21 =	sadd.s32 $0x7, s11  }
0x4f: {  	s25 =	sadd.s32 $0x1000, s25;
	s9 =	sshllo.u32 s9, $0x1;
	_ =	swait.ge [sflag:s21], $0x4000  }
0x50: {  	s10 =	sand.u32 $0x7F, s10;
	s16 =	sor.u32 $0x8, s11;
	[sflag:s21] =	ssyncset.done $0x0  }
0x51: {  	s10 =	smul.u32 $0x3, s10;
	s19 =	sor.u32 $0x6400, s19;
	[sflag:s21] =	ssyncadd.s32 $0xFFFFC000  }
0x52: {  	[tilespmem:s19], [sflag:s9] =	stream.indirect.gather [hbm4b:s3+s15], $0x80, s14, s15, $0xb8;
	[tilespmem:$0x1E400] =	vst v63  }
0x53: {  	s10 =	sxor.u32 $0xFFFFFFFF, s10;
	s9 =	sshll.u32 s9, $0xE;
	_ =	swait.ge [sflag:s16], $0x4000  }
0x54: {  	s5 =	sadd.s32 s5, s10;
	s10 =	sadd.s32 $0x2, s11;
	[sflag:s16] =	ssyncset.done $0x0  }
0x55: {  	s5 =	sand.u32 $0xFF, s5;
	s9 =	sadd.s32 $0x6400, s9;
	[sflag:s16] =	ssyncadd.s32 $0xFFFFC000  }
0x56: {  	[tilespmem:s9], [sflag:s10] =	stream.indirect.gather [hbm4b:s3+s15], $0x80, s28, s15, $0xb8;
	[tilespmem:$0x1E400] =	vst v63  }
0x57: {  	s14 =	sshll.u32 s5, $0xF;
	s9 =	sshll.u32 s5, $0x1;
	s10 =	sshllo.u32 s5, $0x1  }
0x58: {  	s5 =	smov.u32 s4;
	s11 =	sshll.u32 s10, $0xE;
	_ =	swait.ge [sflag:s10], $0x4000  }
.Ltmp0:
0x59: {  	s28 =	sadd.s32 $0x100, s28;
	[sflag:s10] =	ssyncset.done $0x0;
	(pc) =	sbr.rel @p0 .LBB2_2-.Ltmp0, $4  }
0x5a: {  	s26 =	sadd.s32 $0x1000, s26;
	s19 =	sadd.s32 $0x2, s9;
	[sflag:s10] =	ssyncadd.s32 $0xFFFFC000  }
0x5b: {  	s14 =	sor.u32 $0x6400, s14;
	s4 =	smul.u32 $0xAB, s5;
	s10 =	sadd.s32 $0x7, s9  }
0x5c: {  	[hbm4b:s8+s2] =	stream.linear.scatter [tilespmem:s14], [sflag:s10], $0x4000, $0x38;
	[tilespmem:$0x1E400] =	vst v63  }
0x5d: {  	s8 =	sshrl.u32 s4, $0x9;
	s10 =	sadd.s32 $0xFFFFFF55, s4;
	_ =	swait.ge [sflag:s19], $0x4000  }
0x5e: {  	[sflag:s19] =	ssyncset.done $0x0;
	s4 =	sand.u32 $0x7F, s8;
	s6 =	sadd.s32 $0x6400, s11  }
0x5f: {  	s11 =	sor.u32 $0x8, s9;
	[sflag:s19] =	ssyncadd.s32 $0xFFFFC000;
	s4 =	smul.u32 $0x3, s4  }
0x60: {  	[hbm4b:s12+s2] =	stream.linear.scatter [tilespmem:s6], [sflag:s11], $0x4000, $0x38;
	[tilespmem:$0x1E400] =	vst v63  }
0x61: {  	s4 =	ssub.s32 s5, s4  }
0x62: {  	s4 =	sand.u32 $0xFF, s4  }
0x63: {  	s14 =	sshll.u32 s4, $0x1  }
0x64: {  	s16 =	sadd.s32 $0x7, s14  }
0x65: {  	_ =	swait.ge [sflag:s16], $0x4000  }
0x66: {  	s21 =	sadd.s32 $0xFFFFFF80, s28;
	s19 =	sshll.u32 s4, $0xF;
	[sflag:s16] =	ssyncset.done $0x0  }
0x67: {  	s4 =	sshllo.u32 s4, $0x1;
	s9 =	sor.u32 $0x6400, s19;
	[sflag:s16] =	ssyncadd.s32 $0xFFFFC000  }
0x68: {  	[tilespmem:s9], [sflag:s4] =	stream.indirect.gather [hbm4b:s3+s15], $0x80, s21, s15, $0xb8;
	[tilespmem:$0x1E400] =	vst v63  }
0x69: {  	s9 =	sshrl.u32 s10, $0x9  }
0x6a: {  	s10 =	sor.u32 $0x8, s14;
	s8 =	sand.u32 $0x7F, s9  }
0x6b: {  	_ =	swait.ge [sflag:s10], $0x4000;
	s8 =	smul.u32 $0x3, s8  }
0x6c: {  	s6 =	sadd.s32 $0x2, s14;
	s4 =	sshll.u32 s4, $0xE;
	[sflag:s10] =	ssyncset.done $0x0  }
0x6d: {  	s4 =	sadd.s32 $0x6400, s4;
	[sflag:s10] =	ssyncadd.s32 $0xFFFFC000;
	s8 =	sxor.u32 $0xFFFFFFFF, s8  }
0x6e: {  	[tilespmem:s4], [sflag:s6] =	stream.indirect.gather [hbm4b:s3+s15], $0x80, s28, s15, $0xb8;
	[tilespmem:$0x1E400] =	vst v63  }
0x6f: {  	s11 =	sadd.s32 s5, s8  }
0x70: {  	s5 =	sand.u32 $0xFF, s11  }
0x71: {  	s12 =	sshllo.u32 s5, $0x1  }
0x72: {  	s14 =	sshll.u32 s5, $0x1;
	_ =	swait.ge [sflag:s12], $0x4000  }
0x73: {  	s5 =	sshll.u32 s5, $0xF;
	s16 =	sadd.s32 $0x7, s14;
	[sflag:s12] =	ssyncset.done $0x0  }
0x74: {  	s5 =	sor.u32 $0x6400, s5;
	s19 =	sadd.s32 $0x2, s14;
	[sflag:s12] =	ssyncadd.s32 $0xFFFFC000  }
0x75: {  	[hbm4b:s25+s2] =	stream.linear.scatter [tilespmem:s5], [sflag:s16], $0x4000, $0x38;
	[tilespmem:$0x1E400] =	vst v63  }
0x76: {  	_ =	swait.ge [sflag:s19], $0x4000  }
0x77: {  	s4 =	sshll.u32 s12, $0xE;
	[sflag:s19] =	ssyncset.done $0x0  }
0x78: {  	s21 =	sor.u32 $0x8, s14;
	s4 =	sadd.s32 $0x6400, s4;
	[sflag:s19] =	ssyncadd.s32 $0xFFFFC000  }
0x79: {  	[hbm4b:s26+s2] =	stream.linear.scatter [tilespmem:s4], [sflag:s21], $0x4000, $0x38;
	[tilespmem:$0x1E400] =	vst v63  }
0x7a: {  	_ =	swait.ge [sflag:s22], $0x4000  }
0x7b: {  	[sflag:s22] =	ssyncset.done $0x0  }
0x7c: {  	s5 =	simm.s32 $0x6400;
	s25 =	rddreg [dreg:$0x8];
	[sflag:s22] =	ssyncadd.s32 $0xFFFFC000  }
0x7d: {  	[hbm4b:s25+s2] =	stream.linear.scatter [tilespmem:s5], [sflag:$0x7], $0x4000, $0x38;
	[tilespmem:$0x1E400] =	vst v63  }
0x7e: {  	_ =	swait.ge [sflag:s23], $0x4000  }
0x7f: {  	[sflag:s23] =	ssyncset.done $0x0  }
0x80: {  	s26 =	rddreg [dreg:$0x9];
	[sflag:s23] =	ssyncadd.s32 $0xFFFFC000  }
0x81: {  	[hbm4b:s26+s2] =	stream.linear.scatter [tilespmem:s17], [sflag:$0x8], $0x4000, $0x38;
	[tilespmem:$0x1E400] =	vst v63  }
0x82: {  	_ =	swait.ge [sflag:s30], $0x4000  }
0x83: {  	[sflag:s30] =	ssyncset.done $0x0  }
0x84: {  	[sflag:s30] =	ssyncadd.s32 $0xFFFFC000  }
0x85: {  	_ =	swait.ge [sflag:s31], $0x4000  }
0x86: {  	[sflag:s31] =	ssyncset.done $0x0  }
0x87: {  	[sflag:s31] =	ssyncadd.s32 $0xFFFFC000  }
0x88: {  	_ =	swait.ge [sflag:s0], $0x4000  }
0x89: {  	[sflag:s0] =	ssyncset.done $0x0  }
0x8a: {  	[sflag:s0] =	ssyncadd.s32 $0xFFFFC000  }
0x8b: {  	_ =	swait.ge [sflag:s1], $0x4000  }
0x8c: {  	[sflag:s1] =	ssyncset.done $0x0  }
0x8d: {  	[sflag:s1] =	ssyncadd.s32 $0xFFFFC000  }
0x8e: {  	_ =	swait.ge [sflag:s18], $0x4000  }
0x8f: {  	[sflag:s18] =	ssyncset.done $0x0  }
0x90: {  	[sflag:s18] =	ssyncadd.s32 $0xFFFFC000  }
0x91: {  	_ =	swait.ge [sflag:s20], $0x4000  }
0x92: {  	s24 =	sadd.s32 $0x1, s24;
	s28 =	rddreg [dreg:$0xa]  }
0x93: {  	p0 =	sne.s32 s24, s28  }
.Ltmp1:
0x94: {  	_ = 	snop;
	(pc) =	sbr.rel @p0 .LBB2_1-.Ltmp1, $3  }
0x95: {  	_ =	sdelay $0x1  }
0x96: {  	[sflag:s20] =	ssyncset.done $0x0  }
0x97: {  	[sflag:s20] =	ssyncadd.s32 $0xFFFFC000  }
0x98: {  	_ =	sfence.sel $0x180000  }
0x99: {  	[bflag:$0x0] =	sbarrier.arrive $0xFFFF  }
0x9a: {  	_ =	strace $0x90000047  }
0x9b: {  	s0 =	stileid.u32;
	[bflag:$0x2] =	sbarrier.arrive $0xFFFF  }
0x9c: {  	p0 =	sne.s32 s0, $0x0;
	s0 =	rddreg [dreg:$0x2]  }
0x9d: {  	s0 =	sadd.s32 @!p0 $0x100000, s0  }
0x9e: {  	[sflag:s0] =	ssyncadd.tile.s32 @!p0 $0x1;
	_ =	shalt  }
.Lfunc_end2:
_tile_overlayer_lowered:
.L_overlay_start_2:
0x9f: {  	(tag) =	ssettag $0x2  }
0xa0: {  	s0 =	rddreg [dreg:$0x0];
	s2 =	stileid.u32  }
0xa1: {  	s1 =	rddreg [dreg:$0x1];
	p0 =	sne.s32 s2, $0x0  }
0xa2: {  	s3 =	rddreg [dreg:$0x2];
	[bflag:$0x3] =	sbarrier.arrive $0xFFFF;
	s2 =	simm.s32 @!p0 $0x1C0E  }
0xa3: {  	[timem:s3], [sflag:s2] =	dma.local @!p0 [hbm:s0], s1  }
0xa4: {  	s0 =	simm.s32 @!p0 $0xE  }
0xa5: {  	_ =	swait.ge @!p0 [sflag:s0], s1  }
0xa6: {  	s1 =	ssub.s32 @!p0 $0x0, s1;
	[sflag:s0] =	ssyncset.done @!p0 $0x0  }
0xa7: {  	[sflag:s0] =	ssyncadd.s32 @!p0 s1  }
0xa8: {  	[bflag:$0x3] =	sbarrier.arrive $0xFFFF  }
0xa9: {  	_ =	shalt  }

// kernel: sparse-core-data-format-call.cloned.1.call-start
scs
called_computation_lowered:
.L_overlay_start_0:
0x0: {  	s2 =	sld [smem:$0x3FD9]  }
0x1: {  	s3 =	sld [smem:$0x3FFE];
	_ =	sdelay $0x1  }
0x2: {  	s1 =	srdreg.scid  }
0x3: {  	s0 =	sand.u32 $0x1, s1  }
0x4: {  	s18 =	sshll.u32 s0, $0xA;
	s2 =	sadd.s32 s3, s2  }
0x5: {  	s2 =	sadd.s32 s2, s18  }
0x6: {  	[smem:$0x3FC6] =	sst s2  }
0x7: {  	_ = 	snop  }
0x8: {  	s2 =	sld [smem:$0x3FD0];
	(tm) =	ssettm $0x1  }
0x9: {  	s19 =	sld [smem:$0x3FFB];
	_ =	sdelay $0x3  }
0xa: {  	_ =	strace s19  }
0xb: {  	s3 =	sld [smem:$0x3FFC];
	_ =	sdelay $0x3  }
0xc: {  	_ =	strace s3  }
0xd: {  	s3 =	sld [smem:$0x3FFD];
	_ =	sdelay $0x3  }
0xe: {  	_ =	strace s3  }
0xf: {  	_ =	strace $0x8FFFFFFF  }
0x10: {  	s20 =	sld [smem:$0x3FDB];
	_ =	sdelay $0x1  }
0x11: {  	s4 =	simm.s32 $_scs_section_size  }
0x12: {  	s5 =	simm.s32 $_size__tile_overlayer_lowered;
	s6 =	simm.s32 $_tile_overlayer_lowered  }
0x13: {  	s23 =	simm.s32 $0x1BFF;
	s22 =	sshll.u32 s6, $0x1;
	s3 =	sadd.s32 s4, s20  }
0x14: {  	s7 =	simm.s32 $0x0;
	s21 =	sshll.u32 s5, $0x1;
	s5 =	sadd.s32 s22, s3  }
0x15: {  	[timem:s7], [sflag:s23] =	dma.local [hbm:s5], s21  }
0x16: {  	_ =	swait.ge [sflag:s23], s21  }
0x17: {  	s4 =	ssub.s32 $0x0, s21;
	[sflag:s23] =	ssyncset.done $0x0  }
0x18: {  	[sflag:s23] =	ssyncadd.s32 s4;
	_ =	sdelay $0x1  }
0x19: {  	s24 =	simm.s32 $0x1B8B  }
0x1a: {  	_ =	swait.ge [sflag:s24], $0x1  }
0x1b: {  	[sflag:s24] =	ssyncset.done $0x0  }
0x1c: {  	s26 =	simm.s32 $0x1B8E;
	s25 =	sld [smem:$0x3FFE];
	[sflag:s24] =	ssyncadd.s32 $0xFFFFFFFF  }
0x1d: {  	s27 =	simm.s32 $execute0_lowered;
	[smem:$0x3FD2] =	sst s26  }
0x1e: {  	s5 =	sshll.u32 s27, $0x1;
	_ =	strace $0x80000049;
	[dreg:$0x1] =	wrdreg $0xFFFFFFFF  }
0x1f: {  	s28 =	simm.s32 $_size_execute0_lowered;
	s3 =	sadd.s32 s3, s5;
	[dreg:$0x0] =	wrdreg $0x0  }
0x20: {  	s5 =	sshll.u32 s28, $0x1;
	[dreg:$0x2] =	wrdreg s3  }
0x21: {  	[dreg:$0x3] =	wrdreg s5  }
0x22: {  	[dreg:$0x4] =	wrdreg $0xC0  }
0x23: {  	_ =	task [dreg:s7], $0x5FFFF  }
0x24: {  	[dreg:$0x1] =	wrdreg $0xFFFFFFFF  }
0x25: {  	[dreg:$0x0] =	wrdreg $0x60  }
0x26: {  	[dreg:$0x2] =	wrdreg s25  }
0x27: {  	[dreg:$0x3] =	wrdreg s2  }
0x28: {  	[dreg:$0x4] =	wrdreg $0x9  }
0x29: {  	_ =	task.clear_ibuf [dreg:s7], $0x5FFFF;
	_ =	strace $0x90000049  }
0x2a: {  	s29 =	simm.s32 $0x9;
	_ =	strace $0x8000004B  }
0x2b: {  	_ =	swait.ge [sflag:s29], $0x1  }
0x2c: {  	[sflag:s29] =	ssyncadd.s32 $0xFFFFFFFF  }
0x2d: {  	_ =	strace $0x9000004B  }
0x2e: {  	_ =	sfence  }
0x2f: {  	s30 =	sld [smem:$0x0];
	_ =	sdelay $0x2  }
0x30: {  	s31 =	sshll.u32 s1, $0xD;
	s1 =	sshrl.u32 s1, $0x2  }
0x31: {  	s3 =	sand.u32 $0x4000, s31;
	s1 =	sadd.s32 s1, s30  }
0x32: {  	s0 =	sor.u32 s3, s0;
	s1 =	sshll.u32 s1, $0x11  }
0x33: {  	s0 =	sor.u32 s1, s0  }
0x34: {  	s0 =	sadd.s32 $0x8F2B, s0  }
0x35: {  	[sflag:s0] =	ssyncadd.remote.s32 $0x1  }
0x36: {  	_ =	sfence.sel $0xFFFF  }
0x37: {  	[dreg:$0x0] =	wrdreg $0xFFFFFFFF;
	(pc) =	sbr.abs _section_cstart, $3  }
0x38: {  	[dreg:$0x1] =	wrdreg $0xFFFFFFFF  }
0x39: {  	_ =	task.clear_ibuf [dreg:s7], $0x2FFFF;
	_ =	strace $0x9FFFFFFF  }
0x3a: {  	(tm) =	ssettm $0x7FFFFFFF  }
0x3b: {  	_ =	shalt  }
tec
execute0_lowered:
.L_overlay_start_1:
0x0: {  	(tag) =	ssettag $0x1  }
0x1: {  	s0 =	srdreg.scid  }
0x2: {  	s1 =	sshll.u32 s0, $0x4  }
0x3: {  	s0 =	stileid.u32;
	s1 =	sand.u32 $0x10, s1  }
0x4: {  	s1 =	sor.u32 s0, s1  }
0x5: {  	s6 =	rddreg [dreg:$0x0];
	s4 =	simm.s32 $0x1;
	s2 =	sshll.u32 s1, $0x7  }
0x6: {  	s7 =	simm.s32 $0x2;
	s12 =	simm.s32 $0x0;
	s1 =	ssub.s32 $0x1000, s2  }
0x7: {  	s8 =	simm.s32 $0x8000;
	s13 =	simm.s32 $0x0;
	s3 =	sand.u32 $0xF80, s1  }
0x8: {  	s9 =	simm.s32 $0x0;
	s5 =	sshrl.u32 s1, $0xC;
	p0 =	sne.s32 s3, $0x0  }
.Ltmp0:
0x9: {  	s1 =	rddreg [dreg:$0x2];
	s4 =	simm.s32 @!p0 $0x0;
	(pc) =	sbr.rel .LBB1_1-.Ltmp0, $4  }
0xa: {  	s11 =	simm.s32 $0x0;
	s3 =	rddreg [dreg:$0x1];
	s5 =	sadd.s32 s4, s5  }
0xb: {  	_ =	strace $0x8000004A;
	s4 =	simm.s32 $0x1;
	s5 =	smul.u32 $0xC8, s5  }
0xc: {  	s6 =	sadd.s32 $0xA00, s6;
	s10 =	smov.u32 s2;
	[sflag:s4] =	ssyncpa.u1 $0x0  }
0xd: {  	p0 =	por $0x0, $0x0;
	[sflag:s7] =	ssyncpa.u1 $0x0;
	s7 =	sor.u32 $0x1, s5  }
.LBB1_4:
0xe: {  	s16 =	sshll.u32 s13, $0x3;
	s17 =	sand.u32 $0x78, s13  }
0xf: {  	s30 =	sand.u32 $0x7E00, s13;
	s12 =	sshll.u32 s12, $0xF;
	s16 =	sand.u32 $0xC00, s16  }
0x10: {  	[tilespmem:s15+$0x810 ss:$0x81] =	vst.msk $0xffff, v2;
	s31 =	sand.u32 $0x7, s13;
	s16 =	sor.u32 s17, s16;
	s17 =	sadd.s32 s3, s30  }
0x11: {  	[tilespmem:s15+$0x1020 ss:$0x81] =	vst.msk $0xffff, v0;
	s13 =	sshll.u32 s31, $0x12;
	s12 =	sadd.s32 s12, s17;
	s16 =	sshrl.u32 s16, $0x3  }
0x12: {  	[tilespmem:s15+$0x0 ss:$0x81] =	vst.msk $0xffff, v1;
	s13 =	sor.u32 $0x400, s13;
	s12 =	sadd.s32 s16, s12  }
0x13: {  	[hbm4b:s12+s13] =	stream.strided.scatter [tilespmem:s14], [sflag:$0x2], $0x2000, s8, s13, $0x20;
	[tilespmem:$0x8080] =	vst v63  }
.LBB1_5:
0x14: {  	s14 =	sadd.s32 $0x1, s9  }
0x15: {  	s12 =	sadd.s32 $0x1000, s10;
	s16 =	smov.u32 s10;
	p2 =	sgt.s32 s14, $0xC7  }
0x16: {  	s16 =	smov.u32 @p2 s12  }
0x17: {  	s14 =	simm.s32 @p2 $0x0;
	p2 =	sgt.s32 s16, $0xFFF  }
0x18: {  	s16 =	smov.u32 @p2 s2;
	p2 =	sne.s32 s11, s7  }
.Ltmp1:
0x19: {  	p1 =	slt.u32 s11, $0x2;
	(pc) =	sbr.rel @!p2 .LBB1_6-.Ltmp1, $4  }
0x1a: {  	s15 =	simm.s32 @!p1 $0x2  }
0x1b: {  	s13 =	smov.u32 s10;
	p0 =	por !p0, !p0;
	_ =	swait.ge @!p1 [sflag:s15], $0x2000  }
0x1c: {  	s12 =	smov.u32 s9;
	[sflag:s15] =	ssyncset.done @!p1 $0x0;
	s9 =	smov.u32 s14  }
0x1d: {  	s11 =	sadd.s32 $0x1, s11;
	[sflag:s15] =	ssyncadd.s32 @!p1 $0xFFFFE000;
	s10 =	smov.u32 s16  }
.LBB1_1:
0x1e: {  	p1 =	sge.u32 s11, s5  }
0x1f: {  	s14 =	sand.u32 @!p1 $0x1FFFFFF, s9  }
0x20: {  	s15 =	smulhi.u32 @!p1 $0x147AE15, s14;
	_ =	sdelay $0x1  }
0x21: {  	s15 =	smul.u32 @!p1 $0xC8, s15  }
0x22: {  	s16 =	sxor.u32 @!p1 $0xFFFFFFFF, s11;
	s17 =	smul.u32 @!p1 $0xC80, s10  }
0x23: {  	s31 =	sadd.s32 $0xFFFFFFFF, s11;
	s16 =	sshll.u32 @!p1 s16, $0xD;
	s14 =	ssub.s32 @!p1 s14, s15  }
0x24: {  	s15 =	sand.u32 @!p1 $0x2000, s16;
	s16 =	sadd.s32 @!p1 s6, s17;
	s14 =	sshll.u32 @!p1 s14, $0x4  }
0x25: {  	s17 =	simm.s32 @!p1 $0x6400;
	s14 =	sadd.s32 @!p1 s14, s16;
	s16 =	simm.s32 @!p1 $0x40  }
0x26: {  	[tilespmem:s15], [sflag:$0x1] =	stream.strided.gather @!p1 [hbm4b:s14+s16], $0x2000, s17, s16, $0x38;
	[tilespmem:$0x8080] =	vst v63  }
0x27: {  	p1 =	sge.u32 s31, s5  }
.Ltmp2:
0x28: {  	_ = 	snop;
	(pc) =	sbr.rel @p1 .LBB1_5-.Ltmp2, $1  }
0x29: {  	_ =	sdelay $0x3  }
0x2a: {  	s14 =	simm.s32 $0x1  }
0x2b: {  	_ =	swait.ge [sflag:s4], $0x2000;
	s14 =	simm.s32 @!p0 $0x0  }
0x2c: {  	[sflag:s4] =	ssyncset.done $0x0;
	s15 =	sshll.u32 s14, $0xD  }
0x2d: {  	[sflag:s4] =	ssyncadd.s32 $0xFFFFE000;
	s18 =	sor.u32 $0x20, s15  }
0x2e: {  	s14 =	smul.u32 $0x8100, s14;
	v3 =	vld [tilespmem:s18+$0x10]  }
0x2f: {  	s30 =	sand.u32 $0x1, s11;
	v2 =	vld [tilespmem:s18+$0xFFFFFFF0]  }
0x30: {  	s15 =	smul.u32 $0x8100, s30;
	s14 =	sshrl.u32 s14, $0x2;
	v0 =	vld [tilespmem:s18+$0x0]  }
0x31: {  	v1 =	vld [tilespmem:s18+$0xFFFFFFE0];
	s16 =	sor.u32 $0x4000, s14  }
0x32: {  	s31 =	sshrl.u32 s15, $0x2;
	s15 =	sadd.s32 $0x0, s16  }
0x33: {  	s17 =	simm.s32 $0x4;
	s18 =	sadd.s32 $0x40, s18;
	s14 =	sor.u32 $0x4000, s31;
	[tilespmem:s15+$0x1830 ss:$0x81] =	vst.msk $0xffff, v3  }
.LBB1_3:
0x34: {  	v3 =	vld [tilespmem:s18+$0x10];
	p1 =	sne.s32 s17, $0x1FC;
	[tilespmem:s15+$0x810 ss:$0x81] =	vst.msk $0xffff, v2;
	s19 =	smov.u32 s17;
	s17 =	sadd.s32 $0x4, s17  }
.Ltmp3:
0x35: {  	v2 =	vld [tilespmem:s18+$0xFFFFFFF0];
	[tilespmem:s15+$0x1020 ss:$0x81] =	vst.msk $0xffff, v0;
	(pc) =	sbr.rel @p1 .LBB1_3-.Ltmp3, $4  }
0x36: {  	v0 =	vld [tilespmem:s18+$0x0];
	[tilespmem:s15+$0x0 ss:$0x81] =	vst.msk $0xffff, v1  }
0x37: {  	s15 =	sshra.s32 s19, $0x2;
	v1 =	vld [tilespmem:s18+$0xFFFFFFE0]  }
0x38: {  	s15 =	sadd.s32 s15, s16  }
0x39: {  	s18 =	sadd.s32 $0x40, s18;
	[tilespmem:s15+$0x1830 ss:$0x81] =	vst.msk $0xffff, v3  }
.Ltmp4:
0x3a: {  	_ = 	snop;
	(pc) =	sbr.rel .LBB1_4-.Ltmp4, $1  }
0x3b: {  	_ =	sdelay $0x3  }
.LBB1_6:
0x3c: {  	_ =	sfence.sel $0x180000  }
0x3d: {  	s2 =	simm.s32 $0x1;
	[bflag:$0x0] =	sbarrier.arrive $0xFFFF  }
0x3e: {  	s31 =	simm.s32 $0x2;
	[sflag:s2] =	ssyncpa.u1 $0x1  }
0x3f: {  	[sflag:s31] =	ssyncpa.u1 $0x1  }
0x40: {  	p0 =	sne.s32 s0, $0x0;
	_ =	strace $0x9000004A  }
0x41: {  	s0 =	sadd.s32 @!p0 $0x100000, s1;
	[bflag:$0x2] =	sbarrier.arrive $0xFFFF  }
0x42: {  	[sflag:s0] =	ssyncadd.tile.s32 @!p0 $0x1;
	_ =	shalt  }
.Lfunc_end1:
_tile_overlayer_lowered:
.L_overlay_start_2:
0x43: {  	(tag) =	ssettag $0x2  }
0x44: {  	s0 =	rddreg [dreg:$0x0];
	s2 =	stileid.u32  }
0x45: {  	s1 =	rddreg [dreg:$0x1];
	p0 =	sne.s32 s2, $0x0  }
0x46: {  	s3 =	rddreg [dreg:$0x2];
	[bflag:$0x3] =	sbarrier.arrive $0xFFFF;
	s2 =	simm.s32 @!p0 $0x1C01  }
0x47: {  	[timem:s3], [sflag:s2] =	dma.local @!p0 [hbm:s0], s1  }
0x48: {  	s0 =	simm.s32 @!p0 $0x1  }
0x49: {  	_ =	swait.ge @!p0 [sflag:s0], s1  }
0x4a: {  	s1 =	ssub.s32 @!p0 $0x0, s1;
	[sflag:s0] =	ssyncset.done @!p0 $0x0  }
0x4b: {  	[sflag:s0] =	ssyncadd.s32 @!p0 s1  }
0x4c: {  	[bflag:$0x3] =	sbarrier.arrive $0xFFFF  }
0x4d: {  	_ =	shalt  }

</sc_bundles>
